<compile_context>
chip_gen: v7x
topology: tpu7x:2x2x1
jax: 0.10.2.dev20260603
libtpu: 0.0.44.dev20260713+nightly
codegen_flags: <defaults>
</compile_context>

<pallas_src>
import functools

import jax
import jax.numpy as jnp
from jax import lax
from jax.experimental import pallas as pl
from jax.experimental.pallas import tpu as pltpu
from jax.experimental.pallas import tpu_sc as plsc

_B, _S, _D, _N = 4096, 32, 8, 64
_NP = _S * _D
_NW = 32
_PPW = _NP // _NW
_CN = 4
_CPP = _N // _CN
_CPW = _PPW * _CPP
_NBUF = 4


def _sc_copy(xt):
    mesh = plsc.VectorSubcoreMesh(core_axis_name="c", subcore_axis_name="s")

    @functools.partial(
        pl.kernel,
        mesh=mesh,
        out_type=jax.ShapeDtypeStruct((_NP, _N, _B), jnp.float32),
        scratch_types=(
            [
                pltpu.VMEM_SHARED((16, _CN, _B), jnp.float32),
                pltpu.VMEM((_CN, _B), jnp.float32),
                pltpu.VMEM_SHARED((16, _CN, _B), jnp.float32),
                pltpu.VMEM((_CN, _B), jnp.float32),
            ]
            + [pltpu.SemaphoreType.DMA for _ in range(2 * _NBUF)]
        ),
    )
    def k(x_hbm, out_hbm, sh0, tl0, sh1, tl1, *sems):
        sin = sems[:_NBUF]
        son = sems[_NBUF:]
        cid = lax.axis_index("c")
        sid = lax.axis_index("s")
        wid = sid * 2 + cid
        pbase = wid * _PPW
        bufs = (sh0.at[sid], tl0, sh1.at[sid], tl1)

        def src_slice(c):
            p = pbase + c // _CPP
            sp = ((p // _D) * (2 * (p % _D) + 1)) % _S * _D + p % _D
            return x_hbm.at[sp, pl.ds((c % _CPP) * _CN, _CN), :]

        def dst_slice(c):
            p = pbase + c // _CPP
            return out_hbm.at[p, pl.ds((c % _CPP) * _CN, _CN), :]

        for par in (0, 1):
            pltpu.async_copy(src_slice(par), bufs[par], sin[par])

        def body(g, carry):
            for par in range(_NBUF):
                c = _NBUF * g + par
                pltpu.make_async_copy(src_slice(c), bufs[par], sin[par]).wait()
                pltpu.async_copy(bufs[par], dst_slice(c), son[par])

                t = c + 2
                b = (par + 2) % _NBUF

                @pl.when(t < _CPW)
                def _next_in():
                    @pl.when(t >= _NBUF)
                    def _free_buf():
                        pltpu.make_async_copy(
                            bufs[b], dst_slice(c), son[b]
                        ).wait()

                    pltpu.async_copy(src_slice(t), bufs[b], sin[b])

            return carry

        lax.fori_loop(0, _CPW // _NBUF, body, 0)

        for par in range(_NBUF):
            pltpu.make_async_copy(bufs[par], dst_slice(par), son[par]).wait()

    return k(xt)


def kernel(x):
    xt = jnp.transpose(x, (1, 2, 3, 0)).reshape(_NP, _N, _B)
    out3 = _sc_copy(xt)
    return jnp.transpose(out3.reshape(_S, _D, _N, _B), (3, 0, 1, 2))

# --- scband reference (transcript-rebuilt; emitter-appended) ---
"""Pipeline reference for scband-permute-and-pad-scopes-46291157516794 (READ-ONLY COPY).

The authoritative reference and input builder live on the scoring server;
editing this copy changes nothing except your own understanding.
"""

import jax, jax.numpy as jnp
import numpy as np

NUM_DECOMPS = 8
NUM_SCOPES = 32
BATCH = 4096
NUM_NODES = 64
STRIDES = [1, 3, 5, 7, 9, 11, 13, 15]
PERMUTATIONS = jnp.array([[(i * s) % NUM_SCOPES for i in range(NUM_SCOPES)] for s in STRIDES], dtype=jnp.int32)


def setup_inputs(seed: int = 0) -> dict:
    key = jax.random.key(seed)
    x = jax.random.normal(key, (BATCH, NUM_SCOPES, NUM_DECOMPS, NUM_NODES), dtype=jnp.float32)
    return {"x": x}


def reference(x):
    # decomps_first: [D, S, B, N]
    decomps_first = jnp.transpose(x, (2, 1, 0, 3))
    # pad one zero-scope at the front of the scope axis -> [D, S+1, B, N]
    decomps_first_padded = jnp.pad(decomps_first, ((0, 0), (1, 0), (0, 0), (0, 0)))
    # tf.gather(..., axis=1, batch_dims=1): per-decomposition gather along scope axis
    gather_indices = PERMUTATIONS + 1  # [D, S], values in [1, S] (0 would select the zero pad)
    permuted = jax.vmap(lambda p, idx: p[idx])(decomps_first_padded, gather_indices)  # [D, S, B, N]
    return jnp.transpose(permuted, (2, 1, 0, 3))  # back to [B, S, D, N]

if __name__ == "__main__":
    import jax
    _d = setup_inputs()
    print(jax.jit(kernel)(*tuple(_d.values())))

</pallas_src>

<mosaic_0001>
#map = affine_map<(d0, d1) -> (0, 0, 0)>
module attributes {stable_mosaic.version = 14 : i64} {
  func.func @k(%arg0: i32, %arg1: i32, %arg2: memref<256x64x4096xf32, #tpu.memory_space<hbm>>, %arg3: memref<256x64x4096xf32, #tpu.memory_space<hbm>>, %arg4: memref<16x4x4096xf32, #tpu.memory_space<vmem_shared>>, %arg5: memref<4x4096xf32, #tpu.memory_space<vmem>>, %arg6: memref<16x4x4096xf32, #tpu.memory_space<vmem_shared>>, %arg7: memref<4x4096xf32, #tpu.memory_space<vmem>>, %arg8: memref<!tpu.dma_semaphore, #tpu.memory_space<semaphore_mem>>, %arg9: memref<!tpu.dma_semaphore, #tpu.memory_space<semaphore_mem>>, %arg10: memref<!tpu.dma_semaphore, #tpu.memory_space<semaphore_mem>>, %arg11: memref<!tpu.dma_semaphore, #tpu.memory_space<semaphore_mem>>, %arg12: memref<!tpu.dma_semaphore, #tpu.memory_space<semaphore_mem>>, %arg13: memref<!tpu.dma_semaphore, #tpu.memory_space<semaphore_mem>>, %arg14: memref<!tpu.dma_semaphore, #tpu.memory_space<semaphore_mem>>, %arg15: memref<!tpu.dma_semaphore, #tpu.memory_space<semaphore_mem>>) attributes {dimension_semantics = [#tpu.dimension_semantics<core_parallel>, #tpu.dimension_semantics<subcore_parallel>], iteration_bounds = array<i64: 2, 16>, scalar_prefetch = 0 : i64, scratch_operands = 12 : i64, tpu.core_type = #tpu.core_type<sc_vector_subcore>, window_params = [{transform_indices = #map}, {transform_indices = #map}]} {
    %mul3A = arith.constant 2 : i32
    %mul3A_0 = arith.muli %arg1, %mul3A : i32
    %add3A = arith.addi %mul3A_0, %arg0 : i32
    %mul3A_1 = arith.constant 8 : i32
    %mul3A_2 = arith.muli %add3A, %mul3A_1 : i32
    %add3A_3 = arith.constant 0 : i32
    %add3A_4 = arith.addi %mul3A_2, %add3A_3 : i32
    %jit3A = arith.constant 8 : i32
    %div3A = arith.divsi %add3A_4, %jit3A : i32
    %sign3A = arith.constant 0 : i32
    %sign3A_5 = arith.cmpi sgt, %add3A_4, %sign3A : i32
    %sign3A_6 = arith.extui %sign3A_5 : i1 to i32
    %sign3A_7 = arith.constant 0 : i32
    %sign3A_8 = arith.cmpi slt, %add3A_4, %sign3A_7 : i32
    %sign3A_9 = arith.extui %sign3A_8 : i1 to i32
    %sign3A_10 = arith.subi %sign3A_6, %sign3A_9 : i32
    %sign3A_11 = arith.constant 0 : i32
    %sign3A_12 = arith.cmpi sgt, %jit3A, %sign3A_11 : i32
    %sign3A_13 = arith.extui %sign3A_12 : i1 to i32
    %sign3A_14 = arith.constant 0 : i32
    %sign3A_15 = arith.cmpi slt, %jit3A, %sign3A_14 : i32
    %sign3A_16 = arith.extui %sign3A_15 : i1 to i32
    %sign3A_17 = arith.subi %sign3A_13, %sign3A_16 : i32
    %ne3A = arith.cmpi ne, %sign3A_10, %sign3A_17 : i32
    %rem3A = arith.remsi %add3A_4, %jit3A : i32
    %ne3A_18 = arith.constant 0 : i32
    %ne3A_19 = arith.cmpi ne, %rem3A, %ne3A_18 : i32
    %and3A = arith.andi %ne3A, %ne3A_19 : i1
    %sub3A = arith.constant 1 : i32
    %sub3A_20 = arith.subi %div3A, %sub3A : i32
    %select_n3A = arith.select %and3A, %sub3A_20, %div3A : i32
    %jit3A_21 = arith.constant 8 : i32
    %eq3A = arith.constant 0 : i32
    %eq3A_22 = arith.cmpi eq, %jit3A_21, %eq3A : i32
    %jit3A_23 = arith.constant 1 : i32
    %select_n3A_24 = arith.select %eq3A_22, %jit3A_23, %jit3A_21 : i32
    %rem3A_25 = arith.remsi %add3A_4, %select_n3A_24 : i32
    %ne3A_26 = arith.constant 0 : i32
    %ne3A_27 = arith.cmpi ne, %rem3A_25, %ne3A_26 : i32
    %lt3A = arith.constant 0 : i32
    %lt3A_28 = arith.cmpi slt, %rem3A_25, %lt3A : i32
    %lt3A_29 = arith.constant 0 : i32
    %lt3A_30 = arith.cmpi slt, %select_n3A_24, %lt3A_29 : i32
    %ne3A_31 = arith.xori %lt3A_28, %lt3A_30 : i1
    %and3A_32 = arith.andi %ne3A_31, %ne3A_27 : i1
    %add3A_33 = arith.addi %rem3A_25, %select_n3A_24 : i32
    %select_n3A_34 = arith.select %and3A_32, %add3A_33, %rem3A_25 : i32
    %mul3A_35 = arith.constant 2 : i32
    %mul3A_36 = arith.muli %mul3A_35, %select_n3A_34 : i32
    %add3A_37 = arith.constant 1 : i32
    %add3A_38 = arith.addi %mul3A_36, %add3A_37 : i32
    %mul3A_39 = arith.muli %select_n3A, %add3A_38 : i32
    %jit3A_40 = arith.constant 32 : i32
    %eq3A_41 = arith.constant 0 : i32
    %eq3A_42 = arith.cmpi eq, %jit3A_40, %eq3A_41 : i32
    %jit3A_43 = arith.constant 1 : i32
    %select_n3A_44 = arith.select %eq3A_42, %jit3A_43, %jit3A_40 : i32
    %rem3A_45 = arith.remsi %mul3A_39, %select_n3A_44 : i32
    %ne3A_46 = arith.constant 0 : i32
    %ne3A_47 = arith.cmpi ne, %rem3A_45, %ne3A_46 : i32
    %lt3A_48 = arith.constant 0 : i32
    %lt3A_49 = arith.cmpi slt, %rem3A_45, %lt3A_48 : i32
    %lt3A_50 = arith.constant 0 : i32
    %lt3A_51 = arith.cmpi slt, %select_n3A_44, %lt3A_50 : i32
    %ne3A_52 = arith.xori %lt3A_49, %lt3A_51 : i1
    %and3A_53 = arith.andi %ne3A_52, %ne3A_47 : i1
    %add3A_54 = arith.addi %rem3A_45, %select_n3A_44 : i32
    %select_n3A_55 = arith.select %and3A_53, %add3A_54, %rem3A_45 : i32
    %mul3A_56 = arith.constant 8 : i32
    %mul3A_57 = arith.muli %select_n3A_55, %mul3A_56 : i32
    %jit3A_58 = arith.constant 8 : i32
    %eq3A_59 = arith.constant 0 : i32
    %eq3A_60 = arith.cmpi eq, %jit3A_58, %eq3A_59 : i32
    %jit3A_61 = arith.constant 1 : i32
    %select_n3A_62 = arith.select %eq3A_60, %jit3A_61, %jit3A_58 : i32
    %rem3A_63 = arith.remsi %add3A_4, %select_n3A_62 : i32
    %ne3A_64 = arith.constant 0 : i32
    %ne3A_65 = arith.cmpi ne, %rem3A_63, %ne3A_64 : i32
    %lt3A_66 = arith.constant 0 : i32
    %lt3A_67 = arith.cmpi slt, %rem3A_63, %lt3A_66 : i32
    %lt3A_68 = arith.constant 0 : i32
    %lt3A_69 = arith.cmpi slt, %select_n3A_62, %lt3A_68 : i32
    %ne3A_70 = arith.xori %lt3A_67, %lt3A_69 : i1
    %and3A_71 = arith.andi %ne3A_70, %ne3A_65 : i1
    %add3A_72 = arith.addi %rem3A_63, %select_n3A_62 : i32
    %select_n3A_73 = arith.select %and3A_71, %add3A_72, %rem3A_63 : i32
    %add3A_74 = arith.addi %mul3A_57, %select_n3A_73 : i32
    %dma_start3A = arith.constant 0 : i32
    %dma_start3A_75 = arith.constant 0 : i32
    %dma_start3A_76 = tpu.memref_slice %arg4[%arg1, %dma_start3A, %dma_start3A_75] : memref<16x4x4096xf32, #tpu.memory_space<vmem_shared>> -> memref<1x4x4096xf32, #tpu.memory_space<vmem_shared>>
    %dma_start3A_77 = tpu.memref_squeeze %dma_start3A_76 : memref<1x4x4096xf32, #tpu.memory_space<vmem_shared>> -> memref<4x4096xf32, #tpu.memory_space<vmem_shared>>
    %dma_start3A_78 = arith.constant 0 : i32
    %dma_start3A_79 = arith.constant 0 : i32
    %dma_start3A_80 = tpu.memref_slice %arg2[%add3A_74, %dma_start3A_78, %dma_start3A_79] : memref<256x64x4096xf32, #tpu.memory_space<hbm>> -> memref<1x4x4096xf32, #tpu.memory_space<hbm>>
    %dma_start3A_81 = tpu.memref_squeeze %dma_start3A_80 : memref<1x4x4096xf32, #tpu.memory_space<hbm>> -> memref<4x4096xf32, #tpu.memory_space<hbm>>
    tpu.enqueue_dma source(%dma_start3A_81 : memref<4x4096xf32, #tpu.memory_space<hbm>>) target(%dma_start3A_77 : memref<4x4096xf32, #tpu.memory_space<vmem_shared>>) target_semaphore(%arg8 : memref<!tpu.dma_semaphore, #tpu.memory_space<semaphore_mem>>)
    %add3A_82 = arith.constant 0 : i32
    %add3A_83 = arith.addi %mul3A_2, %add3A_82 : i32
    %jit3A_84 = arith.constant 8 : i32
    %div3A_85 = arith.divsi %add3A_83, %jit3A_84 : i32
    %sign3A_86 = arith.constant 0 : i32
    %sign3A_87 = arith.cmpi sgt, %add3A_83, %sign3A_86 : i32
    %sign3A_88 = arith.extui %sign3A_87 : i1 to i32
    %sign3A_89 = arith.constant 0 : i32
    %sign3A_90 = arith.cmpi slt, %add3A_83, %sign3A_89 : i32
    %sign3A_91 = arith.extui %sign3A_90 : i1 to i32
    %sign3A_92 = arith.subi %sign3A_88, %sign3A_91 : i32
    %sign3A_93 = arith.constant 0 : i32
    %sign3A_94 = arith.cmpi sgt, %jit3A_84, %sign3A_93 : i32
    %sign3A_95 = arith.extui %sign3A_94 : i1 to i32
    %sign3A_96 = arith.constant 0 : i32
    %sign3A_97 = arith.cmpi slt, %jit3A_84, %sign3A_96 : i32
    %sign3A_98 = arith.extui %sign3A_97 : i1 to i32
    %sign3A_99 = arith.subi %sign3A_95, %sign3A_98 : i32
    %ne3A_100 = arith.cmpi ne, %sign3A_92, %sign3A_99 : i32
    %rem3A_101 = arith.remsi %add3A_83, %jit3A_84 : i32
    %ne3A_102 = arith.constant 0 : i32
    %ne3A_103 = arith.cmpi ne, %rem3A_101, %ne3A_102 : i32
    %and3A_104 = arith.andi %ne3A_100, %ne3A_103 : i1
    %sub3A_105 = arith.constant 1 : i32
    %sub3A_106 = arith.subi %div3A_85, %sub3A_105 : i32
    %select_n3A_107 = arith.select %and3A_104, %sub3A_106, %div3A_85 : i32
    %jit3A_108 = arith.constant 8 : i32
    %eq3A_109 = arith.constant 0 : i32
    %eq3A_110 = arith.cmpi eq, %jit3A_108, %eq3A_109 : i32
    %jit3A_111 = arith.constant 1 : i32
    %select_n3A_112 = arith.select %eq3A_110, %jit3A_111, %jit3A_108 : i32
    %rem3A_113 = arith.remsi %add3A_83, %select_n3A_112 : i32
    %ne3A_114 = arith.constant 0 : i32
    %ne3A_115 = arith.cmpi ne, %rem3A_113, %ne3A_114 : i32
    %lt3A_116 = arith.constant 0 : i32
    %lt3A_117 = arith.cmpi slt, %rem3A_113, %lt3A_116 : i32
    %lt3A_118 = arith.constant 0 : i32
    %lt3A_119 = arith.cmpi slt, %select_n3A_112, %lt3A_118 : i32
    %ne3A_120 = arith.xori %lt3A_117, %lt3A_119 : i1
    %and3A_121 = arith.andi %ne3A_120, %ne3A_115 : i1
    %add3A_122 = arith.addi %rem3A_113, %select_n3A_112 : i32
    %select_n3A_123 = arith.select %and3A_121, %add3A_122, %rem3A_113 : i32
    %mul3A_124 = arith.constant 2 : i32
    %mul3A_125 = arith.muli %mul3A_124, %select_n3A_123 : i32
    %add3A_126 = arith.constant 1 : i32
    %add3A_127 = arith.addi %mul3A_125, %add3A_126 : i32
    %mul3A_128 = arith.muli %select_n3A_107, %add3A_127 : i32
    %jit3A_129 = arith.constant 32 : i32
    %eq3A_130 = arith.constant 0 : i32
    %eq3A_131 = arith.cmpi eq, %jit3A_129, %eq3A_130 : i32
    %jit3A_132 = arith.constant 1 : i32
    %select_n3A_133 = arith.select %eq3A_131, %jit3A_132, %jit3A_129 : i32
    %rem3A_134 = arith.remsi %mul3A_128, %select_n3A_133 : i32
    %ne3A_135 = arith.constant 0 : i32
    %ne3A_136 = arith.cmpi ne, %rem3A_134, %ne3A_135 : i32
    %lt3A_137 = arith.constant 0 : i32
    %lt3A_138 = arith.cmpi slt, %rem3A_134, %lt3A_137 : i32
    %lt3A_139 = arith.constant 0 : i32
    %lt3A_140 = arith.cmpi slt, %select_n3A_133, %lt3A_139 : i32
    %ne3A_141 = arith.xori %lt3A_138, %lt3A_140 : i1
    %and3A_142 = arith.andi %ne3A_141, %ne3A_136 : i1
    %add3A_143 = arith.addi %rem3A_134, %select_n3A_133 : i32
    %select_n3A_144 = arith.select %and3A_142, %add3A_143, %rem3A_134 : i32
    %mul3A_145 = arith.constant 8 : i32
    %mul3A_146 = arith.muli %select_n3A_144, %mul3A_145 : i32
    %jit3A_147 = arith.constant 8 : i32
    %eq3A_148 = arith.constant 0 : i32
    %eq3A_149 = arith.cmpi eq, %jit3A_147, %eq3A_148 : i32
    %jit3A_150 = arith.constant 1 : i32
    %select_n3A_151 = arith.select %eq3A_149, %jit3A_150, %jit3A_147 : i32
    %rem3A_152 = arith.remsi %add3A_83, %select_n3A_151 : i32
    %ne3A_153 = arith.constant 0 : i32
    %ne3A_154 = arith.cmpi ne, %rem3A_152, %ne3A_153 : i32
    %lt3A_155 = arith.constant 0 : i32
    %lt3A_156 = arith.cmpi slt, %rem3A_152, %lt3A_155 : i32
    %lt3A_157 = arith.constant 0 : i32
    %lt3A_158 = arith.cmpi slt, %select_n3A_151, %lt3A_157 : i32
    %ne3A_159 = arith.xori %lt3A_156, %lt3A_158 : i1
    %and3A_160 = arith.andi %ne3A_159, %ne3A_154 : i1
    %add3A_161 = arith.addi %rem3A_152, %select_n3A_151 : i32
    %select_n3A_162 = arith.select %and3A_160, %add3A_161, %rem3A_152 : i32
    %add3A_163 = arith.addi %mul3A_146, %select_n3A_162 : i32
    %dma_start3A_164 = arith.constant 4 : i32
    %dma_start3A_165 = arith.constant 0 : i32
    %dma_start3A_166 = tpu.memref_slice %arg2[%add3A_163, %dma_start3A_164, %dma_start3A_165] : memref<256x64x4096xf32, #tpu.memory_space<hbm>> -> memref<1x4x4096xf32, #tpu.memory_space<hbm>>
    %dma_start3A_167 = tpu.memref_squeeze %dma_start3A_166 : memref<1x4x4096xf32, #tpu.memory_space<hbm>> -> memref<4x4096xf32, #tpu.memory_space<hbm>>
    %dma_start3A_168 = arith.constant 4 : i32
    %dma_start3A_169 = arith.constant 0 : i32
    %dma_start3A_170 = tpu.memref_slice %arg2[%add3A_163, %dma_start3A_168, %dma_start3A_169] : memref<256x64x4096xf32, #tpu.memory_space<hbm>> -> memref<1x4x4096xf32, #tpu.memory_space<hbm>>
    %dma_start3A_171 = tpu.memref_squeeze %dma_start3A_170 : memref<1x4x4096xf32, #tpu.memory_space<hbm>> -> memref<4x4096xf32, #tpu.memory_space<hbm>>
    tpu.enqueue_dma source(%dma_start3A_171 : memref<4x4096xf32, #tpu.memory_space<hbm>>) target(%arg5 : memref<4x4096xf32, #tpu.memory_space<vmem>>) target_semaphore(%arg9 : memref<!tpu.dma_semaphore, #tpu.memory_space<semaphore_mem>>)
    %scan3A = arith.constant 0 : i32
    %scan3A_172 = arith.constant 0 : i32
    %scan3A_173 = arith.constant 32 : i32
    %scan3A_174 = arith.addi %scan3A_172, %scan3A_173 : i32
    %scan3A_175 = arith.constant 1 : i32
    scf.for %scan3A_216 = %scan3A_172 to %scan3A_174 step %scan3A_175  : i32 {
      %mul3A_217 = arith.constant 4 : i32
      %mul3A_218 = arith.muli %mul3A_217, %scan3A_216 : i32
      %add3A_219 = arith.constant 0 : i32
      %add3A_220 = arith.addi %mul3A_218, %add3A_219 : i32
      %jit3A_221 = arith.constant 16 : i32
      %div3A_222 = arith.divsi %add3A_220, %jit3A_221 : i32
      %sign3A_223 = arith.constant 0 : i32
      %sign3A_224 = arith.cmpi sgt, %add3A_220, %sign3A_223 : i32
      %sign3A_225 = arith.extui %sign3A_224 : i1 to i32
      %sign3A_226 = arith.constant 0 : i32
      %sign3A_227 = arith.cmpi slt, %add3A_220, %sign3A_226 : i32
      %sign3A_228 = arith.extui %sign3A_227 : i1 to i32
      %sign3A_229 = arith.subi %sign3A_225, %sign3A_228 : i32
      %sign3A_230 = arith.constant 0 : i32
      %sign3A_231 = arith.cmpi sgt, %jit3A_221, %sign3A_230 : i32
      %sign3A_232 = arith.extui %sign3A_231 : i1 to i32
      %sign3A_233 = arith.constant 0 : i32
      %sign3A_234 = arith.cmpi slt, %jit3A_221, %sign3A_233 : i32
      %sign3A_235 = arith.extui %sign3A_234 : i1 to i32
      %sign3A_236 = arith.subi %sign3A_232, %sign3A_235 : i32
      %ne3A_237 = arith.cmpi ne, %sign3A_229, %sign3A_236 : i32
      %rem3A_238 = arith.remsi %add3A_220, %jit3A_221 : i32
      %ne3A_239 = arith.constant 0 : i32
      %ne3A_240 = arith.cmpi ne, %rem3A_238, %ne3A_239 : i32
      %and3A_241 = arith.andi %ne3A_237, %ne3A_240 : i1
      %sub3A_242 = arith.constant 1 : i32
      %sub3A_243 = arith.subi %div3A_222, %sub3A_242 : i32
      %select_n3A_244 = arith.select %and3A_241, %sub3A_243, %div3A_222 : i32
      %add3A_245 = arith.addi %mul3A_2, %select_n3A_244 : i32
      %jit3A_246 = arith.constant 8 : i32
      %div3A_247 = arith.divsi %add3A_245, %jit3A_246 : i32
      %sign3A_248 = arith.constant 0 : i32
      %sign3A_249 = arith.cmpi sgt, %add3A_245, %sign3A_248 : i32
      %sign3A_250 = arith.extui %sign3A_249 : i1 to i32
      %sign3A_251 = arith.constant 0 : i32
      %sign3A_252 = arith.cmpi slt, %add3A_245, %sign3A_251 : i32
      %sign3A_253 = arith.extui %sign3A_252 : i1 to i32
      %sign3A_254 = arith.subi %sign3A_250, %sign3A_253 : i32
      %sign3A_255 = arith.constant 0 : i32
      %sign3A_256 = arith.cmpi sgt, %jit3A_246, %sign3A_255 : i32
      %sign3A_257 = arith.extui %sign3A_256 : i1 to i32
      %sign3A_258 = arith.constant 0 : i32
      %sign3A_259 = arith.cmpi slt, %jit3A_246, %sign3A_258 : i32
      %sign3A_260 = arith.extui %sign3A_259 : i1 to i32
      %sign3A_261 = arith.subi %sign3A_257, %sign3A_260 : i32
      %ne3A_262 = arith.cmpi ne, %sign3A_254, %sign3A_261 : i32
      %rem3A_263 = arith.remsi %add3A_245, %jit3A_246 : i32
      %ne3A_264 = arith.constant 0 : i32
      %ne3A_265 = arith.cmpi ne, %rem3A_263, %ne3A_264 : i32
      %and3A_266 = arith.andi %ne3A_262, %ne3A_265 : i1
      %sub3A_267 = arith.constant 1 : i32
      %sub3A_268 = arith.subi %div3A_247, %sub3A_267 : i32
      %select_n3A_269 = arith.select %and3A_266, %sub3A_268, %div3A_247 : i32
      %jit3A_270 = arith.constant 8 : i32
      %eq3A_271 = arith.constant 0 : i32
      %eq3A_272 = arith.cmpi eq, %jit3A_270, %eq3A_271 : i32
      %jit3A_273 = arith.constant 1 : i32
      %select_n3A_274 = arith.select %eq3A_272, %jit3A_273, %jit3A_270 : i32
      %rem3A_275 = arith.remsi %add3A_245, %select_n3A_274 : i32
      %ne3A_276 = arith.constant 0 : i32
      %ne3A_277 = arith.cmpi ne, %rem3A_275, %ne3A_276 : i32
      %lt3A_278 = arith.constant 0 : i32
      %lt3A_279 = arith.cmpi slt, %rem3A_275, %lt3A_278 : i32
      %lt3A_280 = arith.constant 0 : i32
      %lt3A_281 = arith.cmpi slt, %select_n3A_274, %lt3A_280 : i32
      %ne3A_282 = arith.xori %lt3A_279, %lt3A_281 : i1
      %and3A_283 = arith.andi %ne3A_282, %ne3A_277 : i1
      %add3A_284 = arith.addi %rem3A_275, %select_n3A_274 : i32
      %select_n3A_285 = arith.select %and3A_283, %add3A_284, %rem3A_275 : i32
      %mul3A_286 = arith.constant 2 : i32
      %mul3A_287 = arith.muli %mul3A_286, %select_n3A_285 : i32
      %add3A_288 = arith.constant 1 : i32
      %add3A_289 = arith.addi %mul3A_287, %add3A_288 : i32
      %mul3A_290 = arith.muli %select_n3A_269, %add3A_289 : i32
      %jit3A_291 = arith.constant 32 : i32
      %eq3A_292 = arith.constant 0 : i32
      %eq3A_293 = arith.cmpi eq, %jit3A_291, %eq3A_292 : i32
      %jit3A_294 = arith.constant 1 : i32
      %select_n3A_295 = arith.select %eq3A_293, %jit3A_294, %jit3A_291 : i32
      %rem3A_296 = arith.remsi %mul3A_290, %select_n3A_295 : i32
      %ne3A_297 = arith.constant 0 : i32
      %ne3A_298 = arith.cmpi ne, %rem3A_296, %ne3A_297 : i32
      %lt3A_299 = arith.constant 0 : i32
      %lt3A_300 = arith.cmpi slt, %rem3A_296, %lt3A_299 : i32
      %lt3A_301 = arith.constant 0 : i32
      %lt3A_302 = arith.cmpi slt, %select_n3A_295, %lt3A_301 : i32
      %ne3A_303 = arith.xori %lt3A_300, %lt3A_302 : i1
      %and3A_304 = arith.andi %ne3A_303, %ne3A_298 : i1
      %add3A_305 = arith.addi %rem3A_296, %select_n3A_295 : i32
      %select_n3A_306 = arith.select %and3A_304, %add3A_305, %rem3A_296 : i32
      %mul3A_307 = arith.constant 8 : i32
      %mul3A_308 = arith.muli %select_n3A_306, %mul3A_307 : i32
      %jit3A_309 = arith.constant 8 : i32
      %eq3A_310 = arith.constant 0 : i32
      %eq3A_311 = arith.cmpi eq, %jit3A_309, %eq3A_310 : i32
      %jit3A_312 = arith.constant 1 : i32
      %select_n3A_313 = arith.select %eq3A_311, %jit3A_312, %jit3A_309 : i32
      %rem3A_314 = arith.remsi %add3A_245, %select_n3A_313 : i32
      %ne3A_315 = arith.constant 0 : i32
      %ne3A_316 = arith.cmpi ne, %rem3A_314, %ne3A_315 : i32
      %lt3A_317 = arith.constant 0 : i32
      %lt3A_318 = arith.cmpi slt, %rem3A_314, %lt3A_317 : i32
      %lt3A_319 = arith.constant 0 : i32
      %lt3A_320 = arith.cmpi slt, %select_n3A_313, %lt3A_319 : i32
      %ne3A_321 = arith.xori %lt3A_318, %lt3A_320 : i1
      %and3A_322 = arith.andi %ne3A_321, %ne3A_316 : i1
      %add3A_323 = arith.addi %rem3A_314, %select_n3A_313 : i32
      %select_n3A_324 = arith.select %and3A_322, %add3A_323, %rem3A_314 : i32
      %add3A_325 = arith.addi %mul3A_308, %select_n3A_324 : i32
      %jit3A_326 = arith.constant 16 : i32
      %eq3A_327 = arith.constant 0 : i32
      %eq3A_328 = arith.cmpi eq, %jit3A_326, %eq3A_327 : i32
      %jit3A_329 = arith.constant 1 : i32
      %select_n3A_330 = arith.select %eq3A_328, %jit3A_329, %jit3A_326 : i32
      %rem3A_331 = arith.remsi %add3A_220, %select_n3A_330 : i32
      %ne3A_332 = arith.constant 0 : i32
      %ne3A_333 = arith.cmpi ne, %rem3A_331, %ne3A_332 : i32
      %lt3A_334 = arith.constant 0 : i32
      %lt3A_335 = arith.cmpi slt, %rem3A_331, %lt3A_334 : i32
      %lt3A_336 = arith.constant 0 : i32
      %lt3A_337 = arith.cmpi slt, %select_n3A_330, %lt3A_336 : i32
      %ne3A_338 = arith.xori %lt3A_335, %lt3A_337 : i1
      %and3A_339 = arith.andi %ne3A_338, %ne3A_333 : i1
      %add3A_340 = arith.addi %rem3A_331, %select_n3A_330 : i32
      %select_n3A_341 = arith.select %and3A_339, %add3A_340, %rem3A_331 : i32
      %mul3A_342 = arith.constant 4 : i32
      %mul3A_343 = arith.muli %select_n3A_341, %mul3A_342 : i32
      %dma_wait3A_344 = arith.constant 0 : i32
      %dma_wait3A_345 = arith.constant 0 : i32
      %dma_wait3A_346 = tpu.memref_slice %arg4[%arg1, %dma_wait3A_344, %dma_wait3A_345] : memref<16x4x4096xf32, #tpu.memory_space<vmem_shared>> -> memref<1x4x4096xf32, #tpu.memory_space<vmem_shared>>
      %dma_wait3A_347 = tpu.memref_squeeze %dma_wait3A_346 : memref<1x4x4096xf32, #tpu.memory_space<vmem_shared>> -> memref<4x4096xf32, #tpu.memory_space<vmem_shared>>
      %dma_wait3A_348 = arith.constant 0 : i32
      %dma_wait3A_349 = tpu.memref_slice %arg2[%add3A_325, %mul3A_343, %dma_wait3A_348] : memref<256x64x4096xf32, #tpu.memory_space<hbm>> -> memref<1x4x4096xf32, #tpu.memory_space<hbm>>
      %dma_wait3A_350 = tpu.memref_squeeze %dma_wait3A_349 : memref<1x4x4096xf32, #tpu.memory_space<hbm>> -> memref<4x4096xf32, #tpu.memory_space<hbm>>
      tpu.wait_dma2 semaphore(%arg8 : memref<!tpu.dma_semaphore, #tpu.memory_space<semaphore_mem>>) src(%dma_wait3A_350 : memref<4x4096xf32, #tpu.memory_space<hbm>>) dst(%dma_wait3A_347 : memref<4x4096xf32, #tpu.memory_space<vmem_shared>>)
      %jit3A_351 = arith.constant 16 : i32
      %div3A_352 = arith.divsi %add3A_220, %jit3A_351 : i32
      %sign3A_353 = arith.constant 0 : i32
      %sign3A_354 = arith.cmpi sgt, %add3A_220, %sign3A_353 : i32
      %sign3A_355 = arith.extui %sign3A_354 : i1 to i32
      %sign3A_356 = arith.constant 0 : i32
      %sign3A_357 = arith.cmpi slt, %add3A_220, %sign3A_356 : i32
      %sign3A_358 = arith.extui %sign3A_357 : i1 to i32
      %sign3A_359 = arith.subi %sign3A_355, %sign3A_358 : i32
      %sign3A_360 = arith.constant 0 : i32
      %sign3A_361 = arith.cmpi sgt, %jit3A_351, %sign3A_360 : i32
      %sign3A_362 = arith.extui %sign3A_361 : i1 to i32
      %sign3A_363 = arith.constant 0 : i32
      %sign3A_364 = arith.cmpi slt, %jit3A_351, %sign3A_363 : i32
      %sign3A_365 = arith.extui %sign3A_364 : i1 to i32
      %sign3A_366 = arith.subi %sign3A_362, %sign3A_365 : i32
      %ne3A_367 = arith.cmpi ne, %sign3A_359, %sign3A_366 : i32
      %rem3A_368 = arith.remsi %add3A_220, %jit3A_351 : i32
      %ne3A_369 = arith.constant 0 : i32
      %ne3A_370 = arith.cmpi ne, %rem3A_368, %ne3A_369 : i32
      %and3A_371 = arith.andi %ne3A_367, %ne3A_370 : i1
      %sub3A_372 = arith.constant 1 : i32
      %sub3A_373 = arith.subi %div3A_352, %sub3A_372 : i32
      %select_n3A_374 = arith.select %and3A_371, %sub3A_373, %div3A_352 : i32
      %add3A_375 = arith.addi %mul3A_2, %select_n3A_374 : i32
      %jit3A_376 = arith.constant 16 : i32
      %eq3A_377 = arith.constant 0 : i32
      %eq3A_378 = arith.cmpi eq, %jit3A_376, %eq3A_377 : i32
      %jit3A_379 = arith.constant 1 : i32
      %select_n3A_380 = arith.select %eq3A_378, %jit3A_379, %jit3A_376 : i32
      %rem3A_381 = arith.remsi %add3A_220, %select_n3A_380 : i32
      %ne3A_382 = arith.constant 0 : i32
      %ne3A_383 = arith.cmpi ne, %rem3A_381, %ne3A_382 : i32
      %lt3A_384 = arith.constant 0 : i32
      %lt3A_385 = arith.cmpi slt, %rem3A_381, %lt3A_384 : i32
      %lt3A_386 = arith.constant 0 : i32
      %lt3A_387 = arith.cmpi slt, %select_n3A_380, %lt3A_386 : i32
      %ne3A_388 = arith.xori %lt3A_385, %lt3A_387 : i1
      %and3A_389 = arith.andi %ne3A_388, %ne3A_383 : i1
      %add3A_390 = arith.addi %rem3A_381, %select_n3A_380 : i32
      %select_n3A_391 = arith.select %and3A_389, %add3A_390, %rem3A_381 : i32
      %mul3A_392 = arith.constant 4 : i32
      %mul3A_393 = arith.muli %select_n3A_391, %mul3A_392 : i32
      %dma_start3A_394 = arith.constant 0 : i32
      %dma_start3A_395 = tpu.memref_slice %arg3[%add3A_375, %mul3A_393, %dma_start3A_394] : memref<256x64x4096xf32, #tpu.memory_space<hbm>> -> memref<1x4x4096xf32, #tpu.memory_space<hbm>>
      %dma_start3A_396 = tpu.memref_squeeze %dma_start3A_395 : memref<1x4x4096xf32, #tpu.memory_space<hbm>> -> memref<4x4096xf32, #tpu.memory_space<hbm>>
      %dma_start3A_397 = arith.constant 0 : i32
      %dma_start3A_398 = arith.constant 0 : i32
      %dma_start3A_399 = tpu.memref_slice %arg4[%arg1, %dma_start3A_397, %dma_start3A_398] : memref<16x4x4096xf32, #tpu.memory_space<vmem_shared>> -> memref<1x4x4096xf32, #tpu.memory_space<vmem_shared>>
      %dma_start3A_400 = tpu.memref_squeeze %dma_start3A_399 : memref<1x4x4096xf32, #tpu.memory_space<vmem_shared>> -> memref<4x4096xf32, #tpu.memory_space<vmem_shared>>
      tpu.enqueue_dma source(%dma_start3A_400 : memref<4x4096xf32, #tpu.memory_space<vmem_shared>>) target(%dma_start3A_396 : memref<4x4096xf32, #tpu.memory_space<hbm>>) target_semaphore(%arg12 : memref<!tpu.dma_semaphore, #tpu.memory_space<semaphore_mem>>)
      %add3A_401 = arith.constant 2 : i32
      %add3A_402 = arith.addi %add3A_220, %add3A_401 : i32
      %lt3A_403 = arith.constant 128 : i32
      %lt3A_404 = arith.cmpi slt, %add3A_402, %lt3A_403 : i32
      %convert_element_type3A = arith.extui %lt3A_404 : i1 to i32
      %cond3A = arith.constant 0 : i32
      %cond3A_405 = arith.cmpi ne, %convert_element_type3A, %cond3A : i32
      scf.if %cond3A_405 {
        %ge3A = arith.constant 4 : i32
        %ge3A_975 = arith.cmpi sge, %add3A_402, %ge3A : i32
        %convert_element_type3A_976 = arith.extui %ge3A_975 : i1 to i32
        %cond3A_977 = arith.constant 0 : i32
        %cond3A_978 = arith.cmpi ne, %convert_element_type3A_976, %cond3A_977 : i32
        scf.if %cond3A_978 {
          %jit3A_1109 = arith.constant 16 : i32
          %div3A_1110 = arith.divsi %add3A_220, %jit3A_1109 : i32
          %sign3A_1111 = arith.constant 0 : i32
          %sign3A_1112 = arith.cmpi sgt, %add3A_220, %sign3A_1111 : i32
          %sign3A_1113 = arith.extui %sign3A_1112 : i1 to i32
          %sign3A_1114 = arith.constant 0 : i32
          %sign3A_1115 = arith.cmpi slt, %add3A_220, %sign3A_1114 : i32
          %sign3A_1116 = arith.extui %sign3A_1115 : i1 to i32
          %sign3A_1117 = arith.subi %sign3A_1113, %sign3A_1116 : i32
          %sign3A_1118 = arith.constant 0 : i32
          %sign3A_1119 = arith.cmpi sgt, %jit3A_1109, %sign3A_1118 : i32
          %sign3A_1120 = arith.extui %sign3A_1119 : i1 to i32
          %sign3A_1121 = arith.constant 0 : i32
          %sign3A_1122 = arith.cmpi slt, %jit3A_1109, %sign3A_1121 : i32
          %sign3A_1123 = arith.extui %sign3A_1122 : i1 to i32
          %sign3A_1124 = arith.subi %sign3A_1120, %sign3A_1123 : i32
          %ne3A_1125 = arith.cmpi ne, %sign3A_1117, %sign3A_1124 : i32
          %rem3A_1126 = arith.remsi %add3A_220, %jit3A_1109 : i32
          %ne3A_1127 = arith.constant 0 : i32
          %ne3A_1128 = arith.cmpi ne, %rem3A_1126, %ne3A_1127 : i32
          %and3A_1129 = arith.andi %ne3A_1125, %ne3A_1128 : i1
          %sub3A_1130 = arith.constant 1 : i32
          %sub3A_1131 = arith.subi %div3A_1110, %sub3A_1130 : i32
          %select_n3A_1132 = arith.select %and3A_1129, %sub3A_1131, %div3A_1110 : i32
          %add3A_1133 = arith.addi %mul3A_2, %select_n3A_1132 : i32
          %jit3A_1134 = arith.constant 16 : i32
          %eq3A_1135 = arith.constant 0 : i32
          %eq3A_1136 = arith.cmpi eq, %jit3A_1134, %eq3A_1135 : i32
          %jit3A_1137 = arith.constant 1 : i32
          %select_n3A_1138 = arith.select %eq3A_1136, %jit3A_1137, %jit3A_1134 : i32
          %rem3A_1139 = arith.remsi %add3A_220, %select_n3A_1138 : i32
          %ne3A_1140 = arith.constant 0 : i32
          %ne3A_1141 = arith.cmpi ne, %rem3A_1139, %ne3A_1140 : i32
          %lt3A_1142 = arith.constant 0 : i32
          %lt3A_1143 = arith.cmpi slt, %rem3A_1139, %lt3A_1142 : i32
          %lt3A_1144 = arith.constant 0 : i32
          %lt3A_1145 = arith.cmpi slt, %select_n3A_1138, %lt3A_1144 : i32
          %ne3A_1146 = arith.xori %lt3A_1143, %lt3A_1145 : i1
          %and3A_1147 = arith.andi %ne3A_1146, %ne3A_1141 : i1
          %add3A_1148 = arith.addi %rem3A_1139, %select_n3A_1138 : i32
          %select_n3A_1149 = arith.select %and3A_1147, %add3A_1148, %rem3A_1139 : i32
          %mul3A_1150 = arith.constant 4 : i32
          %mul3A_1151 = arith.muli %select_n3A_1149, %mul3A_1150 : i32
          %dma_wait3A_1152 = arith.constant 0 : i32
          %dma_wait3A_1153 = tpu.memref_slice %arg3[%add3A_1133, %mul3A_1151, %dma_wait3A_1152] : memref<256x64x4096xf32, #tpu.memory_space<hbm>> -> memref<1x4x4096xf32, #tpu.memory_space<hbm>>
          %dma_wait3A_1154 = tpu.memref_squeeze %dma_wait3A_1153 : memref<1x4x4096xf32, #tpu.memory_space<hbm>> -> memref<4x4096xf32, #tpu.memory_space<hbm>>
          %dma_wait3A_1155 = arith.constant 0 : i32
          %dma_wait3A_1156 = arith.constant 0 : i32
          %dma_wait3A_1157 = tpu.memref_slice %arg6[%arg1, %dma_wait3A_1155, %dma_wait3A_1156] : memref<16x4x4096xf32, #tpu.memory_space<vmem_shared>> -> memref<1x4x4096xf32, #tpu.memory_space<vmem_shared>>
          %dma_wait3A_1158 = tpu.memref_squeeze %dma_wait3A_1157 : memref<1x4x4096xf32, #tpu.memory_space<vmem_shared>> -> memref<4x4096xf32, #tpu.memory_space<vmem_shared>>
          tpu.wait_dma2 semaphore(%arg14 : memref<!tpu.dma_semaphore, #tpu.memory_space<semaphore_mem>>) src(%dma_wait3A_1158 : memref<4x4096xf32, #tpu.memory_space<vmem_shared>>) dst(%dma_wait3A_1154 : memref<4x4096xf32, #tpu.memory_space<hbm>>)
        } else {
        }
        %jit3A_979 = arith.constant 16 : i32
        %div3A_980 = arith.divsi %add3A_402, %jit3A_979 : i32
        %sign3A_981 = arith.constant 0 : i32
        %sign3A_982 = arith.cmpi sgt, %add3A_402, %sign3A_981 : i32
        %sign3A_983 = arith.extui %sign3A_982 : i1 to i32
        %sign3A_984 = arith.constant 0 : i32
        %sign3A_985 = arith.cmpi slt, %add3A_402, %sign3A_984 : i32
        %sign3A_986 = arith.extui %sign3A_985 : i1 to i32
        %sign3A_987 = arith.subi %sign3A_983, %sign3A_986 : i32
        %sign3A_988 = arith.constant 0 : i32
        %sign3A_989 = arith.cmpi sgt, %jit3A_979, %sign3A_988 : i32
        %sign3A_990 = arith.extui %sign3A_989 : i1 to i32
        %sign3A_991 = arith.constant 0 : i32
        %sign3A_992 = arith.cmpi slt, %jit3A_979, %sign3A_991 : i32
        %sign3A_993 = arith.extui %sign3A_992 : i1 to i32
        %sign3A_994 = arith.subi %sign3A_990, %sign3A_993 : i32
        %ne3A_995 = arith.cmpi ne, %sign3A_987, %sign3A_994 : i32
        %rem3A_996 = arith.remsi %add3A_402, %jit3A_979 : i32
        %ne3A_997 = arith.constant 0 : i32
        %ne3A_998 = arith.cmpi ne, %rem3A_996, %ne3A_997 : i32
        %and3A_999 = arith.andi %ne3A_995, %ne3A_998 : i1
        %sub3A_1000 = arith.constant 1 : i32
        %sub3A_1001 = arith.subi %div3A_980, %sub3A_1000 : i32
        %select_n3A_1002 = arith.select %and3A_999, %sub3A_1001, %div3A_980 : i32
        %add3A_1003 = arith.addi %mul3A_2, %select_n3A_1002 : i32
        %jit3A_1004 = arith.constant 8 : i32
        %div3A_1005 = arith.divsi %add3A_1003, %jit3A_1004 : i32
        %sign3A_1006 = arith.constant 0 : i32
        %sign3A_1007 = arith.cmpi sgt, %add3A_1003, %sign3A_1006 : i32
        %sign3A_1008 = arith.extui %sign3A_1007 : i1 to i32
        %sign3A_1009 = arith.constant 0 : i32
        %sign3A_1010 = arith.cmpi slt, %add3A_1003, %sign3A_1009 : i32
        %sign3A_1011 = arith.extui %sign3A_1010 : i1 to i32
        %sign3A_1012 = arith.subi %sign3A_1008, %sign3A_1011 : i32
        %sign3A_1013 = arith.constant 0 : i32
        %sign3A_1014 = arith.cmpi sgt, %jit3A_1004, %sign3A_1013 : i32
        %sign3A_1015 = arith.extui %sign3A_1014 : i1 to i32
        %sign3A_1016 = arith.constant 0 : i32
        %sign3A_1017 = arith.cmpi slt, %jit3A_1004, %sign3A_1016 : i32
        %sign3A_1018 = arith.extui %sign3A_1017 : i1 to i32
        %sign3A_1019 = arith.subi %sign3A_1015, %sign3A_1018 : i32
        %ne3A_1020 = arith.cmpi ne, %sign3A_1012, %sign3A_1019 : i32
        %rem3A_1021 = arith.remsi %add3A_1003, %jit3A_1004 : i32
        %ne3A_1022 = arith.constant 0 : i32
        %ne3A_1023 = arith.cmpi ne, %rem3A_1021, %ne3A_1022 : i32
        %and3A_1024 = arith.andi %ne3A_1020, %ne3A_1023 : i1
        %sub3A_1025 = arith.constant 1 : i32
        %sub3A_1026 = arith.subi %div3A_1005, %sub3A_1025 : i32
        %select_n3A_1027 = arith.select %and3A_1024, %sub3A_1026, %div3A_1005 : i32
        %jit3A_1028 = arith.constant 8 : i32
        %eq3A_1029 = arith.constant 0 : i32
        %eq3A_1030 = arith.cmpi eq, %jit3A_1028, %eq3A_1029 : i32
        %jit3A_1031 = arith.constant 1 : i32
        %select_n3A_1032 = arith.select %eq3A_1030, %jit3A_1031, %jit3A_1028 : i32
        %rem3A_1033 = arith.remsi %add3A_1003, %select_n3A_1032 : i32
        %ne3A_1034 = arith.constant 0 : i32
        %ne3A_1035 = arith.cmpi ne, %rem3A_1033, %ne3A_1034 : i32
        %lt3A_1036 = arith.constant 0 : i32
        %lt3A_1037 = arith.cmpi slt, %rem3A_1033, %lt3A_1036 : i32
        %lt3A_1038 = arith.constant 0 : i32
        %lt3A_1039 = arith.cmpi slt, %select_n3A_1032, %lt3A_1038 : i32
        %ne3A_1040 = arith.xori %lt3A_1037, %lt3A_1039 : i1
        %and3A_1041 = arith.andi %ne3A_1040, %ne3A_1035 : i1
        %add3A_1042 = arith.addi %rem3A_1033, %select_n3A_1032 : i32
        %select_n3A_1043 = arith.select %and3A_1041, %add3A_1042, %rem3A_1033 : i32
        %mul3A_1044 = arith.constant 2 : i32
        %mul3A_1045 = arith.muli %mul3A_1044, %select_n3A_1043 : i32
        %add3A_1046 = arith.constant 1 : i32
        %add3A_1047 = arith.addi %mul3A_1045, %add3A_1046 : i32
        %mul3A_1048 = arith.muli %select_n3A_1027, %add3A_1047 : i32
        %jit3A_1049 = arith.constant 32 : i32
        %eq3A_1050 = arith.constant 0 : i32
        %eq3A_1051 = arith.cmpi eq, %jit3A_1049, %eq3A_1050 : i32
        %jit3A_1052 = arith.constant 1 : i32
        %select_n3A_1053 = arith.select %eq3A_1051, %jit3A_1052, %jit3A_1049 : i32
        %rem3A_1054 = arith.remsi %mul3A_1048, %select_n3A_1053 : i32
        %ne3A_1055 = arith.constant 0 : i32
        %ne3A_1056 = arith.cmpi ne, %rem3A_1054, %ne3A_1055 : i32
        %lt3A_1057 = arith.constant 0 : i32
        %lt3A_1058 = arith.cmpi slt, %rem3A_1054, %lt3A_1057 : i32
        %lt3A_1059 = arith.constant 0 : i32
        %lt3A_1060 = arith.cmpi slt, %select_n3A_1053, %lt3A_1059 : i32
        %ne3A_1061 = arith.xori %lt3A_1058, %lt3A_1060 : i1
        %and3A_1062 = arith.andi %ne3A_1061, %ne3A_1056 : i1
        %add3A_1063 = arith.addi %rem3A_1054, %select_n3A_1053 : i32
        %select_n3A_1064 = arith.select %and3A_1062, %add3A_1063, %rem3A_1054 : i32
        %mul3A_1065 = arith.constant 8 : i32
        %mul3A_1066 = arith.muli %select_n3A_1064, %mul3A_1065 : i32
        %jit3A_1067 = arith.constant 8 : i32
        %eq3A_1068 = arith.constant 0 : i32
        %eq3A_1069 = arith.cmpi eq, %jit3A_1067, %eq3A_1068 : i32
        %jit3A_1070 = arith.constant 1 : i32
        %select_n3A_1071 = arith.select %eq3A_1069, %jit3A_1070, %jit3A_1067 : i32
        %rem3A_1072 = arith.remsi %add3A_1003, %select_n3A_1071 : i32
        %ne3A_1073 = arith.constant 0 : i32
        %ne3A_1074 = arith.cmpi ne, %rem3A_1072, %ne3A_1073 : i32
        %lt3A_1075 = arith.constant 0 : i32
        %lt3A_1076 = arith.cmpi slt, %rem3A_1072, %lt3A_1075 : i32
        %lt3A_1077 = arith.constant 0 : i32
        %lt3A_1078 = arith.cmpi slt, %select_n3A_1071, %lt3A_1077 : i32
        %ne3A_1079 = arith.xori %lt3A_1076, %lt3A_1078 : i1
        %and3A_1080 = arith.andi %ne3A_1079, %ne3A_1074 : i1
        %add3A_1081 = arith.addi %rem3A_1072, %select_n3A_1071 : i32
        %select_n3A_1082 = arith.select %and3A_1080, %add3A_1081, %rem3A_1072 : i32
        %add3A_1083 = arith.addi %mul3A_1066, %select_n3A_1082 : i32
        %jit3A_1084 = arith.constant 16 : i32
        %eq3A_1085 = arith.constant 0 : i32
        %eq3A_1086 = arith.cmpi eq, %jit3A_1084, %eq3A_1085 : i32
        %jit3A_1087 = arith.constant 1 : i32
        %select_n3A_1088 = arith.select %eq3A_1086, %jit3A_1087, %jit3A_1084 : i32
        %rem3A_1089 = arith.remsi %add3A_402, %select_n3A_1088 : i32
        %ne3A_1090 = arith.constant 0 : i32
        %ne3A_1091 = arith.cmpi ne, %rem3A_1089, %ne3A_1090 : i32
        %lt3A_1092 = arith.constant 0 : i32
        %lt3A_1093 = arith.cmpi slt, %rem3A_1089, %lt3A_1092 : i32
        %lt3A_1094 = arith.constant 0 : i32
        %lt3A_1095 = arith.cmpi slt, %select_n3A_1088, %lt3A_1094 : i32
        %ne3A_1096 = arith.xori %lt3A_1093, %lt3A_1095 : i1
        %and3A_1097 = arith.andi %ne3A_1096, %ne3A_1091 : i1
        %add3A_1098 = arith.addi %rem3A_1089, %select_n3A_1088 : i32
        %select_n3A_1099 = arith.select %and3A_1097, %add3A_1098, %rem3A_1089 : i32
        %mul3A_1100 = arith.constant 4 : i32
        %mul3A_1101 = arith.muli %select_n3A_1099, %mul3A_1100 : i32
        %dma_start3A_1102 = arith.constant 0 : i32
        %dma_start3A_1103 = arith.constant 0 : i32
        %dma_start3A_1104 = tpu.memref_slice %arg6[%arg1, %dma_start3A_1102, %dma_start3A_1103] : memref<16x4x4096xf32, #tpu.memory_space<vmem_shared>> -> memref<1x4x4096xf32, #tpu.memory_space<vmem_shared>>
        %dma_start3A_1105 = tpu.memref_squeeze %dma_start3A_1104 : memref<1x4x4096xf32, #tpu.memory_space<vmem_shared>> -> memref<4x4096xf32, #tpu.memory_space<vmem_shared>>
        %dma_start3A_1106 = arith.constant 0 : i32
        %dma_start3A_1107 = tpu.memref_slice %arg2[%add3A_1083, %mul3A_1101, %dma_start3A_1106] : memref<256x64x4096xf32, #tpu.memory_space<hbm>> -> memref<1x4x4096xf32, #tpu.memory_space<hbm>>
        %dma_start3A_1108 = tpu.memref_squeeze %dma_start3A_1107 : memref<1x4x4096xf32, #tpu.memory_space<hbm>> -> memref<4x4096xf32, #tpu.memory_space<hbm>>
        tpu.enqueue_dma source(%dma_start3A_1108 : memref<4x4096xf32, #tpu.memory_space<hbm>>) target(%dma_start3A_1105 : memref<4x4096xf32, #tpu.memory_space<vmem_shared>>) target_semaphore(%arg10 : memref<!tpu.dma_semaphore, #tpu.memory_space<semaphore_mem>>)
      } else {
      }
      %mul3A_406 = arith.constant 4 : i32
      %mul3A_407 = arith.muli %mul3A_406, %scan3A_216 : i32
      %add3A_408 = arith.constant 1 : i32
      %add3A_409 = arith.addi %mul3A_407, %add3A_408 : i32
      %jit3A_410 = arith.constant 16 : i32
      %div3A_411 = arith.divsi %add3A_409, %jit3A_410 : i32
      %sign3A_412 = arith.constant 0 : i32
      %sign3A_413 = arith.cmpi sgt, %add3A_409, %sign3A_412 : i32
      %sign3A_414 = arith.extui %sign3A_413 : i1 to i32
      %sign3A_415 = arith.constant 0 : i32
      %sign3A_416 = arith.cmpi slt, %add3A_409, %sign3A_415 : i32
      %sign3A_417 = arith.extui %sign3A_416 : i1 to i32
      %sign3A_418 = arith.subi %sign3A_414, %sign3A_417 : i32
      %sign3A_419 = arith.constant 0 : i32
      %sign3A_420 = arith.cmpi sgt, %jit3A_410, %sign3A_419 : i32
      %sign3A_421 = arith.extui %sign3A_420 : i1 to i32
      %sign3A_422 = arith.constant 0 : i32
      %sign3A_423 = arith.cmpi slt, %jit3A_410, %sign3A_422 : i32
      %sign3A_424 = arith.extui %sign3A_423 : i1 to i32
      %sign3A_425 = arith.subi %sign3A_421, %sign3A_424 : i32
      %ne3A_426 = arith.cmpi ne, %sign3A_418, %sign3A_425 : i32
      %rem3A_427 = arith.remsi %add3A_409, %jit3A_410 : i32
      %ne3A_428 = arith.constant 0 : i32
      %ne3A_429 = arith.cmpi ne, %rem3A_427, %ne3A_428 : i32
      %and3A_430 = arith.andi %ne3A_426, %ne3A_429 : i1
      %sub3A_431 = arith.constant 1 : i32
      %sub3A_432 = arith.subi %div3A_411, %sub3A_431 : i32
      %select_n3A_433 = arith.select %and3A_430, %sub3A_432, %div3A_411 : i32
      %add3A_434 = arith.addi %mul3A_2, %select_n3A_433 : i32
      %jit3A_435 = arith.constant 8 : i32
      %div3A_436 = arith.divsi %add3A_434, %jit3A_435 : i32
      %sign3A_437 = arith.constant 0 : i32
      %sign3A_438 = arith.cmpi sgt, %add3A_434, %sign3A_437 : i32
      %sign3A_439 = arith.extui %sign3A_438 : i1 to i32
      %sign3A_440 = arith.constant 0 : i32
      %sign3A_441 = arith.cmpi slt, %add3A_434, %sign3A_440 : i32
      %sign3A_442 = arith.extui %sign3A_441 : i1 to i32
      %sign3A_443 = arith.subi %sign3A_439, %sign3A_442 : i32
      %sign3A_444 = arith.constant 0 : i32
      %sign3A_445 = arith.cmpi sgt, %jit3A_435, %sign3A_444 : i32
      %sign3A_446 = arith.extui %sign3A_445 : i1 to i32
      %sign3A_447 = arith.constant 0 : i32
      %sign3A_448 = arith.cmpi slt, %jit3A_435, %sign3A_447 : i32
      %sign3A_449 = arith.extui %sign3A_448 : i1 to i32
      %sign3A_450 = arith.subi %sign3A_446, %sign3A_449 : i32
      %ne3A_451 = arith.cmpi ne, %sign3A_443, %sign3A_450 : i32
      %rem3A_452 = arith.remsi %add3A_434, %jit3A_435 : i32
      %ne3A_453 = arith.constant 0 : i32
      %ne3A_454 = arith.cmpi ne, %rem3A_452, %ne3A_453 : i32
      %and3A_455 = arith.andi %ne3A_451, %ne3A_454 : i1
      %sub3A_456 = arith.constant 1 : i32
      %sub3A_457 = arith.subi %div3A_436, %sub3A_456 : i32
      %select_n3A_458 = arith.select %and3A_455, %sub3A_457, %div3A_436 : i32
      %jit3A_459 = arith.constant 8 : i32
      %eq3A_460 = arith.constant 0 : i32
      %eq3A_461 = arith.cmpi eq, %jit3A_459, %eq3A_460 : i32
      %jit3A_462 = arith.constant 1 : i32
      %select_n3A_463 = arith.select %eq3A_461, %jit3A_462, %jit3A_459 : i32
      %rem3A_464 = arith.remsi %add3A_434, %select_n3A_463 : i32
      %ne3A_465 = arith.constant 0 : i32
      %ne3A_466 = arith.cmpi ne, %rem3A_464, %ne3A_465 : i32
      %lt3A_467 = arith.constant 0 : i32
      %lt3A_468 = arith.cmpi slt, %rem3A_464, %lt3A_467 : i32
      %lt3A_469 = arith.constant 0 : i32
      %lt3A_470 = arith.cmpi slt, %select_n3A_463, %lt3A_469 : i32
      %ne3A_471 = arith.xori %lt3A_468, %lt3A_470 : i1
      %and3A_472 = arith.andi %ne3A_471, %ne3A_466 : i1
      %add3A_473 = arith.addi %rem3A_464, %select_n3A_463 : i32
      %select_n3A_474 = arith.select %and3A_472, %add3A_473, %rem3A_464 : i32
      %mul3A_475 = arith.constant 2 : i32
      %mul3A_476 = arith.muli %mul3A_475, %select_n3A_474 : i32
      %add3A_477 = arith.constant 1 : i32
      %add3A_478 = arith.addi %mul3A_476, %add3A_477 : i32
      %mul3A_479 = arith.muli %select_n3A_458, %add3A_478 : i32
      %jit3A_480 = arith.constant 32 : i32
      %eq3A_481 = arith.constant 0 : i32
      %eq3A_482 = arith.cmpi eq, %jit3A_480, %eq3A_481 : i32
      %jit3A_483 = arith.constant 1 : i32
      %select_n3A_484 = arith.select %eq3A_482, %jit3A_483, %jit3A_480 : i32
      %rem3A_485 = arith.remsi %mul3A_479, %select_n3A_484 : i32
      %ne3A_486 = arith.constant 0 : i32
      %ne3A_487 = arith.cmpi ne, %rem3A_485, %ne3A_486 : i32
      %lt3A_488 = arith.constant 0 : i32
      %lt3A_489 = arith.cmpi slt, %rem3A_485, %lt3A_488 : i32
      %lt3A_490 = arith.constant 0 : i32
      %lt3A_491 = arith.cmpi slt, %select_n3A_484, %lt3A_490 : i32
      %ne3A_492 = arith.xori %lt3A_489, %lt3A_491 : i1
      %and3A_493 = arith.andi %ne3A_492, %ne3A_487 : i1
      %add3A_494 = arith.addi %rem3A_485, %select_n3A_484 : i32
      %select_n3A_495 = arith.select %and3A_493, %add3A_494, %rem3A_485 : i32
      %mul3A_496 = arith.constant 8 : i32
      %mul3A_497 = arith.muli %select_n3A_495, %mul3A_496 : i32
      %jit3A_498 = arith.constant 8 : i32
      %eq3A_499 = arith.constant 0 : i32
      %eq3A_500 = arith.cmpi eq, %jit3A_498, %eq3A_499 : i32
      %jit3A_501 = arith.constant 1 : i32
      %select_n3A_502 = arith.select %eq3A_500, %jit3A_501, %jit3A_498 : i32
      %rem3A_503 = arith.remsi %add3A_434, %select_n3A_502 : i32
      %ne3A_504 = arith.constant 0 : i32
      %ne3A_505 = arith.cmpi ne, %rem3A_503, %ne3A_504 : i32
      %lt3A_506 = arith.constant 0 : i32
      %lt3A_507 = arith.cmpi slt, %rem3A_503, %lt3A_506 : i32
      %lt3A_508 = arith.constant 0 : i32
      %lt3A_509 = arith.cmpi slt, %select_n3A_502, %lt3A_508 : i32
      %ne3A_510 = arith.xori %lt3A_507, %lt3A_509 : i1
      %and3A_511 = arith.andi %ne3A_510, %ne3A_505 : i1
      %add3A_512 = arith.addi %rem3A_503, %select_n3A_502 : i32
      %select_n3A_513 = arith.select %and3A_511, %add3A_512, %rem3A_503 : i32
      %add3A_514 = arith.addi %mul3A_497, %select_n3A_513 : i32
      %jit3A_515 = arith.constant 16 : i32
      %eq3A_516 = arith.constant 0 : i32
      %eq3A_517 = arith.cmpi eq, %jit3A_515, %eq3A_516 : i32
      %jit3A_518 = arith.constant 1 : i32
      %select_n3A_519 = arith.select %eq3A_517, %jit3A_518, %jit3A_515 : i32
      %rem3A_520 = arith.remsi %add3A_409, %select_n3A_519 : i32
      %ne3A_521 = arith.constant 0 : i32
      %ne3A_522 = arith.cmpi ne, %rem3A_520, %ne3A_521 : i32
      %lt3A_523 = arith.constant 0 : i32
      %lt3A_524 = arith.cmpi slt, %rem3A_520, %lt3A_523 : i32
      %lt3A_525 = arith.constant 0 : i32
      %lt3A_526 = arith.cmpi slt, %select_n3A_519, %lt3A_525 : i32
      %ne3A_527 = arith.xori %lt3A_524, %lt3A_526 : i1
      %and3A_528 = arith.andi %ne3A_527, %ne3A_522 : i1
      %add3A_529 = arith.addi %rem3A_520, %select_n3A_519 : i32
      %select_n3A_530 = arith.select %and3A_528, %add3A_529, %rem3A_520 : i32
      %mul3A_531 = arith.constant 4 : i32
      %mul3A_532 = arith.muli %select_n3A_530, %mul3A_531 : i32
      %dma_wait3A_533 = arith.constant 0 : i32
      %dma_wait3A_534 = tpu.memref_slice %arg2[%add3A_514, %mul3A_532, %dma_wait3A_533] : memref<256x64x4096xf32, #tpu.memory_space<hbm>> -> memref<1x4x4096xf32, #tpu.memory_space<hbm>>
      %dma_wait3A_535 = tpu.memref_squeeze %dma_wait3A_534 : memref<1x4x4096xf32, #tpu.memory_space<hbm>> -> memref<4x4096xf32, #tpu.memory_space<hbm>>
      %dma_wait3A_536 = arith.constant 0 : i32
      %dma_wait3A_537 = tpu.memref_slice %arg2[%add3A_514, %mul3A_532, %dma_wait3A_536] : memref<256x64x4096xf32, #tpu.memory_space<hbm>> -> memref<1x4x4096xf32, #tpu.memory_space<hbm>>
      %dma_wait3A_538 = tpu.memref_squeeze %dma_wait3A_537 : memref<1x4x4096xf32, #tpu.memory_space<hbm>> -> memref<4x4096xf32, #tpu.memory_space<hbm>>
      tpu.wait_dma2 semaphore(%arg9 : memref<!tpu.dma_semaphore, #tpu.memory_space<semaphore_mem>>) src(%dma_wait3A_538 : memref<4x4096xf32, #tpu.memory_space<hbm>>) dst(%arg5 : memref<4x4096xf32, #tpu.memory_space<vmem>>)
      %jit3A_539 = arith.constant 16 : i32
      %div3A_540 = arith.divsi %add3A_409, %jit3A_539 : i32
      %sign3A_541 = arith.constant 0 : i32
      %sign3A_542 = arith.cmpi sgt, %add3A_409, %sign3A_541 : i32
      %sign3A_543 = arith.extui %sign3A_542 : i1 to i32
      %sign3A_544 = arith.constant 0 : i32
      %sign3A_545 = arith.cmpi slt, %add3A_409, %sign3A_544 : i32
      %sign3A_546 = arith.extui %sign3A_545 : i1 to i32
      %sign3A_547 = arith.subi %sign3A_543, %sign3A_546 : i32
      %sign3A_548 = arith.constant 0 : i32
      %sign3A_549 = arith.cmpi sgt, %jit3A_539, %sign3A_548 : i32
      %sign3A_550 = arith.extui %sign3A_549 : i1 to i32
      %sign3A_551 = arith.constant 0 : i32
      %sign3A_552 = arith.cmpi slt, %jit3A_539, %sign3A_551 : i32
      %sign3A_553 = arith.extui %sign3A_552 : i1 to i32
      %sign3A_554 = arith.subi %sign3A_550, %sign3A_553 : i32
      %ne3A_555 = arith.cmpi ne, %sign3A_547, %sign3A_554 : i32
      %rem3A_556 = arith.remsi %add3A_409, %jit3A_539 : i32
      %ne3A_557 = arith.constant 0 : i32
      %ne3A_558 = arith.cmpi ne, %rem3A_556, %ne3A_557 : i32
      %and3A_559 = arith.andi %ne3A_555, %ne3A_558 : i1
      %sub3A_560 = arith.constant 1 : i32
      %sub3A_561 = arith.subi %div3A_540, %sub3A_560 : i32
      %select_n3A_562 = arith.select %and3A_559, %sub3A_561, %div3A_540 : i32
      %add3A_563 = arith.addi %mul3A_2, %select_n3A_562 : i32
      %jit3A_564 = arith.constant 16 : i32
      %eq3A_565 = arith.constant 0 : i32
      %eq3A_566 = arith.cmpi eq, %jit3A_564, %eq3A_565 : i32
      %jit3A_567 = arith.constant 1 : i32
      %select_n3A_568 = arith.select %eq3A_566, %jit3A_567, %jit3A_564 : i32
      %rem3A_569 = arith.remsi %add3A_409, %select_n3A_568 : i32
      %ne3A_570 = arith.constant 0 : i32
      %ne3A_571 = arith.cmpi ne, %rem3A_569, %ne3A_570 : i32
      %lt3A_572 = arith.constant 0 : i32
      %lt3A_573 = arith.cmpi slt, %rem3A_569, %lt3A_572 : i32
      %lt3A_574 = arith.constant 0 : i32
      %lt3A_575 = arith.cmpi slt, %select_n3A_568, %lt3A_574 : i32
      %ne3A_576 = arith.xori %lt3A_573, %lt3A_575 : i1
      %and3A_577 = arith.andi %ne3A_576, %ne3A_571 : i1
      %add3A_578 = arith.addi %rem3A_569, %select_n3A_568 : i32
      %select_n3A_579 = arith.select %and3A_577, %add3A_578, %rem3A_569 : i32
      %mul3A_580 = arith.constant 4 : i32
      %mul3A_581 = arith.muli %select_n3A_579, %mul3A_580 : i32
      %dma_start3A_582 = arith.constant 0 : i32
      %dma_start3A_583 = tpu.memref_slice %arg3[%add3A_563, %mul3A_581, %dma_start3A_582] : memref<256x64x4096xf32, #tpu.memory_space<hbm>> -> memref<1x4x4096xf32, #tpu.memory_space<hbm>>
      %dma_start3A_584 = tpu.memref_squeeze %dma_start3A_583 : memref<1x4x4096xf32, #tpu.memory_space<hbm>> -> memref<4x4096xf32, #tpu.memory_space<hbm>>
      %dma_start3A_585 = arith.constant 0 : i32
      %dma_start3A_586 = tpu.memref_slice %arg3[%add3A_563, %mul3A_581, %dma_start3A_585] : memref<256x64x4096xf32, #tpu.memory_space<hbm>> -> memref<1x4x4096xf32, #tpu.memory_space<hbm>>
      %dma_start3A_587 = tpu.memref_squeeze %dma_start3A_586 : memref<1x4x4096xf32, #tpu.memory_space<hbm>> -> memref<4x4096xf32, #tpu.memory_space<hbm>>
      tpu.enqueue_dma source(%arg5 : memref<4x4096xf32, #tpu.memory_space<vmem>>) target(%dma_start3A_587 : memref<4x4096xf32, #tpu.memory_space<hbm>>) target_semaphore(%arg13 : memref<!tpu.dma_semaphore, #tpu.memory_space<semaphore_mem>>)
      %add3A_588 = arith.constant 2 : i32
      %add3A_589 = arith.addi %add3A_409, %add3A_588 : i32
      %lt3A_590 = arith.constant 128 : i32
      %lt3A_591 = arith.cmpi slt, %add3A_589, %lt3A_590 : i32
      %convert_element_type3A_592 = arith.extui %lt3A_591 : i1 to i32
      %cond3A_593 = arith.constant 0 : i32
      %cond3A_594 = arith.cmpi ne, %convert_element_type3A_592, %cond3A_593 : i32
      scf.if %cond3A_594 {
        %ge3A = arith.constant 4 : i32
        %ge3A_975 = arith.cmpi sge, %add3A_589, %ge3A : i32
        %convert_element_type3A_976 = arith.extui %ge3A_975 : i1 to i32
        %cond3A_977 = arith.constant 0 : i32
        %cond3A_978 = arith.cmpi ne, %convert_element_type3A_976, %cond3A_977 : i32
        scf.if %cond3A_978 {
          %jit3A_1108 = arith.constant 16 : i32
          %div3A_1109 = arith.divsi %add3A_409, %jit3A_1108 : i32
          %sign3A_1110 = arith.constant 0 : i32
          %sign3A_1111 = arith.cmpi sgt, %add3A_409, %sign3A_1110 : i32
          %sign3A_1112 = arith.extui %sign3A_1111 : i1 to i32
          %sign3A_1113 = arith.constant 0 : i32
          %sign3A_1114 = arith.cmpi slt, %add3A_409, %sign3A_1113 : i32
          %sign3A_1115 = arith.extui %sign3A_1114 : i1 to i32
          %sign3A_1116 = arith.subi %sign3A_1112, %sign3A_1115 : i32
          %sign3A_1117 = arith.constant 0 : i32
          %sign3A_1118 = arith.cmpi sgt, %jit3A_1108, %sign3A_1117 : i32
          %sign3A_1119 = arith.extui %sign3A_1118 : i1 to i32
          %sign3A_1120 = arith.constant 0 : i32
          %sign3A_1121 = arith.cmpi slt, %jit3A_1108, %sign3A_1120 : i32
          %sign3A_1122 = arith.extui %sign3A_1121 : i1 to i32
          %sign3A_1123 = arith.subi %sign3A_1119, %sign3A_1122 : i32
          %ne3A_1124 = arith.cmpi ne, %sign3A_1116, %sign3A_1123 : i32
          %rem3A_1125 = arith.remsi %add3A_409, %jit3A_1108 : i32
          %ne3A_1126 = arith.constant 0 : i32
          %ne3A_1127 = arith.cmpi ne, %rem3A_1125, %ne3A_1126 : i32
          %and3A_1128 = arith.andi %ne3A_1124, %ne3A_1127 : i1
          %sub3A_1129 = arith.constant 1 : i32
          %sub3A_1130 = arith.subi %div3A_1109, %sub3A_1129 : i32
          %select_n3A_1131 = arith.select %and3A_1128, %sub3A_1130, %div3A_1109 : i32
          %add3A_1132 = arith.addi %mul3A_2, %select_n3A_1131 : i32
          %jit3A_1133 = arith.constant 16 : i32
          %eq3A_1134 = arith.constant 0 : i32
          %eq3A_1135 = arith.cmpi eq, %jit3A_1133, %eq3A_1134 : i32
          %jit3A_1136 = arith.constant 1 : i32
          %select_n3A_1137 = arith.select %eq3A_1135, %jit3A_1136, %jit3A_1133 : i32
          %rem3A_1138 = arith.remsi %add3A_409, %select_n3A_1137 : i32
          %ne3A_1139 = arith.constant 0 : i32
          %ne3A_1140 = arith.cmpi ne, %rem3A_1138, %ne3A_1139 : i32
          %lt3A_1141 = arith.constant 0 : i32
          %lt3A_1142 = arith.cmpi slt, %rem3A_1138, %lt3A_1141 : i32
          %lt3A_1143 = arith.constant 0 : i32
          %lt3A_1144 = arith.cmpi slt, %select_n3A_1137, %lt3A_1143 : i32
          %ne3A_1145 = arith.xori %lt3A_1142, %lt3A_1144 : i1
          %and3A_1146 = arith.andi %ne3A_1145, %ne3A_1140 : i1
          %add3A_1147 = arith.addi %rem3A_1138, %select_n3A_1137 : i32
          %select_n3A_1148 = arith.select %and3A_1146, %add3A_1147, %rem3A_1138 : i32
          %mul3A_1149 = arith.constant 4 : i32
          %mul3A_1150 = arith.muli %select_n3A_1148, %mul3A_1149 : i32
          %dma_wait3A_1151 = arith.constant 0 : i32
          %dma_wait3A_1152 = tpu.memref_slice %arg3[%add3A_1132, %mul3A_1150, %dma_wait3A_1151] : memref<256x64x4096xf32, #tpu.memory_space<hbm>> -> memref<1x4x4096xf32, #tpu.memory_space<hbm>>
          %dma_wait3A_1153 = tpu.memref_squeeze %dma_wait3A_1152 : memref<1x4x4096xf32, #tpu.memory_space<hbm>> -> memref<4x4096xf32, #tpu.memory_space<hbm>>
          %dma_wait3A_1154 = arith.constant 0 : i32
          %dma_wait3A_1155 = tpu.memref_slice %arg3[%add3A_1132, %mul3A_1150, %dma_wait3A_1154] : memref<256x64x4096xf32, #tpu.memory_space<hbm>> -> memref<1x4x4096xf32, #tpu.memory_space<hbm>>
          %dma_wait3A_1156 = tpu.memref_squeeze %dma_wait3A_1155 : memref<1x4x4096xf32, #tpu.memory_space<hbm>> -> memref<4x4096xf32, #tpu.memory_space<hbm>>
          tpu.wait_dma2 semaphore(%arg15 : memref<!tpu.dma_semaphore, #tpu.memory_space<semaphore_mem>>) src(%arg7 : memref<4x4096xf32, #tpu.memory_space<vmem>>) dst(%dma_wait3A_1156 : memref<4x4096xf32, #tpu.memory_space<hbm>>)
        } else {
        }
        %jit3A_979 = arith.constant 16 : i32
        %div3A_980 = arith.divsi %add3A_589, %jit3A_979 : i32
        %sign3A_981 = arith.constant 0 : i32
        %sign3A_982 = arith.cmpi sgt, %add3A_589, %sign3A_981 : i32
        %sign3A_983 = arith.extui %sign3A_982 : i1 to i32
        %sign3A_984 = arith.constant 0 : i32
        %sign3A_985 = arith.cmpi slt, %add3A_589, %sign3A_984 : i32
        %sign3A_986 = arith.extui %sign3A_985 : i1 to i32
        %sign3A_987 = arith.subi %sign3A_983, %sign3A_986 : i32
        %sign3A_988 = arith.constant 0 : i32
        %sign3A_989 = arith.cmpi sgt, %jit3A_979, %sign3A_988 : i32
        %sign3A_990 = arith.extui %sign3A_989 : i1 to i32
        %sign3A_991 = arith.constant 0 : i32
        %sign3A_992 = arith.cmpi slt, %jit3A_979, %sign3A_991 : i32
        %sign3A_993 = arith.extui %sign3A_992 : i1 to i32
        %sign3A_994 = arith.subi %sign3A_990, %sign3A_993 : i32
        %ne3A_995 = arith.cmpi ne, %sign3A_987, %sign3A_994 : i32
        %rem3A_996 = arith.remsi %add3A_589, %jit3A_979 : i32
        %ne3A_997 = arith.constant 0 : i32
        %ne3A_998 = arith.cmpi ne, %rem3A_996, %ne3A_997 : i32
        %and3A_999 = arith.andi %ne3A_995, %ne3A_998 : i1
        %sub3A_1000 = arith.constant 1 : i32
        %sub3A_1001 = arith.subi %div3A_980, %sub3A_1000 : i32
        %select_n3A_1002 = arith.select %and3A_999, %sub3A_1001, %div3A_980 : i32
        %add3A_1003 = arith.addi %mul3A_2, %select_n3A_1002 : i32
        %jit3A_1004 = arith.constant 8 : i32
        %div3A_1005 = arith.divsi %add3A_1003, %jit3A_1004 : i32
        %sign3A_1006 = arith.constant 0 : i32
        %sign3A_1007 = arith.cmpi sgt, %add3A_1003, %sign3A_1006 : i32
        %sign3A_1008 = arith.extui %sign3A_1007 : i1 to i32
        %sign3A_1009 = arith.constant 0 : i32
        %sign3A_1010 = arith.cmpi slt, %add3A_1003, %sign3A_1009 : i32
        %sign3A_1011 = arith.extui %sign3A_1010 : i1 to i32
        %sign3A_1012 = arith.subi %sign3A_1008, %sign3A_1011 : i32
        %sign3A_1013 = arith.constant 0 : i32
        %sign3A_1014 = arith.cmpi sgt, %jit3A_1004, %sign3A_1013 : i32
        %sign3A_1015 = arith.extui %sign3A_1014 : i1 to i32
        %sign3A_1016 = arith.constant 0 : i32
        %sign3A_1017 = arith.cmpi slt, %jit3A_1004, %sign3A_1016 : i32
        %sign3A_1018 = arith.extui %sign3A_1017 : i1 to i32
        %sign3A_1019 = arith.subi %sign3A_1015, %sign3A_1018 : i32
        %ne3A_1020 = arith.cmpi ne, %sign3A_1012, %sign3A_1019 : i32
        %rem3A_1021 = arith.remsi %add3A_1003, %jit3A_1004 : i32
        %ne3A_1022 = arith.constant 0 : i32
        %ne3A_1023 = arith.cmpi ne, %rem3A_1021, %ne3A_1022 : i32
        %and3A_1024 = arith.andi %ne3A_1020, %ne3A_1023 : i1
        %sub3A_1025 = arith.constant 1 : i32
        %sub3A_1026 = arith.subi %div3A_1005, %sub3A_1025 : i32
        %select_n3A_1027 = arith.select %and3A_1024, %sub3A_1026, %div3A_1005 : i32
        %jit3A_1028 = arith.constant 8 : i32
        %eq3A_1029 = arith.constant 0 : i32
        %eq3A_1030 = arith.cmpi eq, %jit3A_1028, %eq3A_1029 : i32
        %jit3A_1031 = arith.constant 1 : i32
        %select_n3A_1032 = arith.select %eq3A_1030, %jit3A_1031, %jit3A_1028 : i32
        %rem3A_1033 = arith.remsi %add3A_1003, %select_n3A_1032 : i32
        %ne3A_1034 = arith.constant 0 : i32
        %ne3A_1035 = arith.cmpi ne, %rem3A_1033, %ne3A_1034 : i32
        %lt3A_1036 = arith.constant 0 : i32
        %lt3A_1037 = arith.cmpi slt, %rem3A_1033, %lt3A_1036 : i32
        %lt3A_1038 = arith.constant 0 : i32
        %lt3A_1039 = arith.cmpi slt, %select_n3A_1032, %lt3A_1038 : i32
        %ne3A_1040 = arith.xori %lt3A_1037, %lt3A_1039 : i1
        %and3A_1041 = arith.andi %ne3A_1040, %ne3A_1035 : i1
        %add3A_1042 = arith.addi %rem3A_1033, %select_n3A_1032 : i32
        %select_n3A_1043 = arith.select %and3A_1041, %add3A_1042, %rem3A_1033 : i32
        %mul3A_1044 = arith.constant 2 : i32
        %mul3A_1045 = arith.muli %mul3A_1044, %select_n3A_1043 : i32
        %add3A_1046 = arith.constant 1 : i32
        %add3A_1047 = arith.addi %mul3A_1045, %add3A_1046 : i32
        %mul3A_1048 = arith.muli %select_n3A_1027, %add3A_1047 : i32
        %jit3A_1049 = arith.constant 32 : i32
        %eq3A_1050 = arith.constant 0 : i32
        %eq3A_1051 = arith.cmpi eq, %jit3A_1049, %eq3A_1050 : i32
        %jit3A_1052 = arith.constant 1 : i32
        %select_n3A_1053 = arith.select %eq3A_1051, %jit3A_1052, %jit3A_1049 : i32
        %rem3A_1054 = arith.remsi %mul3A_1048, %select_n3A_1053 : i32
        %ne3A_1055 = arith.constant 0 : i32
        %ne3A_1056 = arith.cmpi ne, %rem3A_1054, %ne3A_1055 : i32
        %lt3A_1057 = arith.constant 0 : i32
        %lt3A_1058 = arith.cmpi slt, %rem3A_1054, %lt3A_1057 : i32
        %lt3A_1059 = arith.constant 0 : i32
        %lt3A_1060 = arith.cmpi slt, %select_n3A_1053, %lt3A_1059 : i32
        %ne3A_1061 = arith.xori %lt3A_1058, %lt3A_1060 : i1
        %and3A_1062 = arith.andi %ne3A_1061, %ne3A_1056 : i1
        %add3A_1063 = arith.addi %rem3A_1054, %select_n3A_1053 : i32
        %select_n3A_1064 = arith.select %and3A_1062, %add3A_1063, %rem3A_1054 : i32
        %mul3A_1065 = arith.constant 8 : i32
        %mul3A_1066 = arith.muli %select_n3A_1064, %mul3A_1065 : i32
        %jit3A_1067 = arith.constant 8 : i32
        %eq3A_1068 = arith.constant 0 : i32
        %eq3A_1069 = arith.cmpi eq, %jit3A_1067, %eq3A_1068 : i32
        %jit3A_1070 = arith.constant 1 : i32
        %select_n3A_1071 = arith.select %eq3A_1069, %jit3A_1070, %jit3A_1067 : i32
        %rem3A_1072 = arith.remsi %add3A_1003, %select_n3A_1071 : i32
        %ne3A_1073 = arith.constant 0 : i32
        %ne3A_1074 = arith.cmpi ne, %rem3A_1072, %ne3A_1073 : i32
        %lt3A_1075 = arith.constant 0 : i32
        %lt3A_1076 = arith.cmpi slt, %rem3A_1072, %lt3A_1075 : i32
        %lt3A_1077 = arith.constant 0 : i32
        %lt3A_1078 = arith.cmpi slt, %select_n3A_1071, %lt3A_1077 : i32
        %ne3A_1079 = arith.xori %lt3A_1076, %lt3A_1078 : i1
        %and3A_1080 = arith.andi %ne3A_1079, %ne3A_1074 : i1
        %add3A_1081 = arith.addi %rem3A_1072, %select_n3A_1071 : i32
        %select_n3A_1082 = arith.select %and3A_1080, %add3A_1081, %rem3A_1072 : i32
        %add3A_1083 = arith.addi %mul3A_1066, %select_n3A_1082 : i32
        %jit3A_1084 = arith.constant 16 : i32
        %eq3A_1085 = arith.constant 0 : i32
        %eq3A_1086 = arith.cmpi eq, %jit3A_1084, %eq3A_1085 : i32
        %jit3A_1087 = arith.constant 1 : i32
        %select_n3A_1088 = arith.select %eq3A_1086, %jit3A_1087, %jit3A_1084 : i32
        %rem3A_1089 = arith.remsi %add3A_589, %select_n3A_1088 : i32
        %ne3A_1090 = arith.constant 0 : i32
        %ne3A_1091 = arith.cmpi ne, %rem3A_1089, %ne3A_1090 : i32
        %lt3A_1092 = arith.constant 0 : i32
        %lt3A_1093 = arith.cmpi slt, %rem3A_1089, %lt3A_1092 : i32
        %lt3A_1094 = arith.constant 0 : i32
        %lt3A_1095 = arith.cmpi slt, %select_n3A_1088, %lt3A_1094 : i32
        %ne3A_1096 = arith.xori %lt3A_1093, %lt3A_1095 : i1
        %and3A_1097 = arith.andi %ne3A_1096, %ne3A_1091 : i1
        %add3A_1098 = arith.addi %rem3A_1089, %select_n3A_1088 : i32
        %select_n3A_1099 = arith.select %and3A_1097, %add3A_1098, %rem3A_1089 : i32
        %mul3A_1100 = arith.constant 4 : i32
        %mul3A_1101 = arith.muli %select_n3A_1099, %mul3A_1100 : i32
        %dma_start3A_1102 = arith.constant 0 : i32
        %dma_start3A_1103 = tpu.memref_slice %arg2[%add3A_1083, %mul3A_1101, %dma_start3A_1102] : memref<256x64x4096xf32, #tpu.memory_space<hbm>> -> memref<1x4x4096xf32, #tpu.memory_space<hbm>>
        %dma_start3A_1104 = tpu.memref_squeeze %dma_start3A_1103 : memref<1x4x4096xf32, #tpu.memory_space<hbm>> -> memref<4x4096xf32, #tpu.memory_space<hbm>>
        %dma_start3A_1105 = arith.constant 0 : i32
        %dma_start3A_1106 = tpu.memref_slice %arg2[%add3A_1083, %mul3A_1101, %dma_start3A_1105] : memref<256x64x4096xf32, #tpu.memory_space<hbm>> -> memref<1x4x4096xf32, #tpu.memory_space<hbm>>
        %dma_start3A_1107 = tpu.memref_squeeze %dma_start3A_1106 : memref<1x4x4096xf32, #tpu.memory_space<hbm>> -> memref<4x4096xf32, #tpu.memory_space<hbm>>
        tpu.enqueue_dma source(%dma_start3A_1107 : memref<4x4096xf32, #tpu.memory_space<hbm>>) target(%arg7 : memref<4x4096xf32, #tpu.memory_space<vmem>>) target_semaphore(%arg11 : memref<!tpu.dma_semaphore, #tpu.memory_space<semaphore_mem>>)
      } else {
      }
      %mul3A_595 = arith.constant 4 : i32
      %mul3A_596 = arith.muli %mul3A_595, %scan3A_216 : i32
      %add3A_597 = arith.constant 2 : i32
      %add3A_598 = arith.addi %mul3A_596, %add3A_597 : i32
      %jit3A_599 = arith.constant 16 : i32
      %div3A_600 = arith.divsi %add3A_598, %jit3A_599 : i32
      %sign3A_601 = arith.constant 0 : i32
      %sign3A_602 = arith.cmpi sgt, %add3A_598, %sign3A_601 : i32
      %sign3A_603 = arith.extui %sign3A_602 : i1 to i32
      %sign3A_604 = arith.constant 0 : i32
      %sign3A_605 = arith.cmpi slt, %add3A_598, %sign3A_604 : i32
      %sign3A_606 = arith.extui %sign3A_605 : i1 to i32
      %sign3A_607 = arith.subi %sign3A_603, %sign3A_606 : i32
      %sign3A_608 = arith.constant 0 : i32
      %sign3A_609 = arith.cmpi sgt, %jit3A_599, %sign3A_608 : i32
      %sign3A_610 = arith.extui %sign3A_609 : i1 to i32
      %sign3A_611 = arith.constant 0 : i32
      %sign3A_612 = arith.cmpi slt, %jit3A_599, %sign3A_611 : i32
      %sign3A_613 = arith.extui %sign3A_612 : i1 to i32
      %sign3A_614 = arith.subi %sign3A_610, %sign3A_613 : i32
      %ne3A_615 = arith.cmpi ne, %sign3A_607, %sign3A_614 : i32
      %rem3A_616 = arith.remsi %add3A_598, %jit3A_599 : i32
      %ne3A_617 = arith.constant 0 : i32
      %ne3A_618 = arith.cmpi ne, %rem3A_616, %ne3A_617 : i32
      %and3A_619 = arith.andi %ne3A_615, %ne3A_618 : i1
      %sub3A_620 = arith.constant 1 : i32
      %sub3A_621 = arith.subi %div3A_600, %sub3A_620 : i32
      %select_n3A_622 = arith.select %and3A_619, %sub3A_621, %div3A_600 : i32
      %add3A_623 = arith.addi %mul3A_2, %select_n3A_622 : i32
      %jit3A_624 = arith.constant 8 : i32
      %div3A_625 = arith.divsi %add3A_623, %jit3A_624 : i32
      %sign3A_626 = arith.constant 0 : i32
      %sign3A_627 = arith.cmpi sgt, %add3A_623, %sign3A_626 : i32
      %sign3A_628 = arith.extui %sign3A_627 : i1 to i32
      %sign3A_629 = arith.constant 0 : i32
      %sign3A_630 = arith.cmpi slt, %add3A_623, %sign3A_629 : i32
      %sign3A_631 = arith.extui %sign3A_630 : i1 to i32
      %sign3A_632 = arith.subi %sign3A_628, %sign3A_631 : i32
      %sign3A_633 = arith.constant 0 : i32
      %sign3A_634 = arith.cmpi sgt, %jit3A_624, %sign3A_633 : i32
      %sign3A_635 = arith.extui %sign3A_634 : i1 to i32
      %sign3A_636 = arith.constant 0 : i32
      %sign3A_637 = arith.cmpi slt, %jit3A_624, %sign3A_636 : i32
      %sign3A_638 = arith.extui %sign3A_637 : i1 to i32
      %sign3A_639 = arith.subi %sign3A_635, %sign3A_638 : i32
      %ne3A_640 = arith.cmpi ne, %sign3A_632, %sign3A_639 : i32
      %rem3A_641 = arith.remsi %add3A_623, %jit3A_624 : i32
      %ne3A_642 = arith.constant 0 : i32
      %ne3A_643 = arith.cmpi ne, %rem3A_641, %ne3A_642 : i32
      %and3A_644 = arith.andi %ne3A_640, %ne3A_643 : i1
      %sub3A_645 = arith.constant 1 : i32
      %sub3A_646 = arith.subi %div3A_625, %sub3A_645 : i32
      %select_n3A_647 = arith.select %and3A_644, %sub3A_646, %div3A_625 : i32
      %jit3A_648 = arith.constant 8 : i32
      %eq3A_649 = arith.constant 0 : i32
      %eq3A_650 = arith.cmpi eq, %jit3A_648, %eq3A_649 : i32
      %jit3A_651 = arith.constant 1 : i32
      %select_n3A_652 = arith.select %eq3A_650, %jit3A_651, %jit3A_648 : i32
      %rem3A_653 = arith.remsi %add3A_623, %select_n3A_652 : i32
      %ne3A_654 = arith.constant 0 : i32
      %ne3A_655 = arith.cmpi ne, %rem3A_653, %ne3A_654 : i32
      %lt3A_656 = arith.constant 0 : i32
      %lt3A_657 = arith.cmpi slt, %rem3A_653, %lt3A_656 : i32
      %lt3A_658 = arith.constant 0 : i32
      %lt3A_659 = arith.cmpi slt, %select_n3A_652, %lt3A_658 : i32
      %ne3A_660 = arith.xori %lt3A_657, %lt3A_659 : i1
      %and3A_661 = arith.andi %ne3A_660, %ne3A_655 : i1
      %add3A_662 = arith.addi %rem3A_653, %select_n3A_652 : i32
      %select_n3A_663 = arith.select %and3A_661, %add3A_662, %rem3A_653 : i32
      %mul3A_664 = arith.constant 2 : i32
      %mul3A_665 = arith.muli %mul3A_664, %select_n3A_663 : i32
      %add3A_666 = arith.constant 1 : i32
      %add3A_667 = arith.addi %mul3A_665, %add3A_666 : i32
      %mul3A_668 = arith.muli %select_n3A_647, %add3A_667 : i32
      %jit3A_669 = arith.constant 32 : i32
      %eq3A_670 = arith.constant 0 : i32
      %eq3A_671 = arith.cmpi eq, %jit3A_669, %eq3A_670 : i32
      %jit3A_672 = arith.constant 1 : i32
      %select_n3A_673 = arith.select %eq3A_671, %jit3A_672, %jit3A_669 : i32
      %rem3A_674 = arith.remsi %mul3A_668, %select_n3A_673 : i32
      %ne3A_675 = arith.constant 0 : i32
      %ne3A_676 = arith.cmpi ne, %rem3A_674, %ne3A_675 : i32
      %lt3A_677 = arith.constant 0 : i32
      %lt3A_678 = arith.cmpi slt, %rem3A_674, %lt3A_677 : i32
      %lt3A_679 = arith.constant 0 : i32
      %lt3A_680 = arith.cmpi slt, %select_n3A_673, %lt3A_679 : i32
      %ne3A_681 = arith.xori %lt3A_678, %lt3A_680 : i1
      %and3A_682 = arith.andi %ne3A_681, %ne3A_676 : i1
      %add3A_683 = arith.addi %rem3A_674, %select_n3A_673 : i32
      %select_n3A_684 = arith.select %and3A_682, %add3A_683, %rem3A_674 : i32
      %mul3A_685 = arith.constant 8 : i32
      %mul3A_686 = arith.muli %select_n3A_684, %mul3A_685 : i32
      %jit3A_687 = arith.constant 8 : i32
      %eq3A_688 = arith.constant 0 : i32
      %eq3A_689 = arith.cmpi eq, %jit3A_687, %eq3A_688 : i32
      %jit3A_690 = arith.constant 1 : i32
      %select_n3A_691 = arith.select %eq3A_689, %jit3A_690, %jit3A_687 : i32
      %rem3A_692 = arith.remsi %add3A_623, %select_n3A_691 : i32
      %ne3A_693 = arith.constant 0 : i32
      %ne3A_694 = arith.cmpi ne, %rem3A_692, %ne3A_693 : i32
      %lt3A_695 = arith.constant 0 : i32
      %lt3A_696 = arith.cmpi slt, %rem3A_692, %lt3A_695 : i32
      %lt3A_697 = arith.constant 0 : i32
      %lt3A_698 = arith.cmpi slt, %select_n3A_691, %lt3A_697 : i32
      %ne3A_699 = arith.xori %lt3A_696, %lt3A_698 : i1
      %and3A_700 = arith.andi %ne3A_699, %ne3A_694 : i1
      %add3A_701 = arith.addi %rem3A_692, %select_n3A_691 : i32
      %select_n3A_702 = arith.select %and3A_700, %add3A_701, %rem3A_692 : i32
      %add3A_703 = arith.addi %mul3A_686, %select_n3A_702 : i32
      %jit3A_704 = arith.constant 16 : i32
      %eq3A_705 = arith.constant 0 : i32
      %eq3A_706 = arith.cmpi eq, %jit3A_704, %eq3A_705 : i32
      %jit3A_707 = arith.constant 1 : i32
      %select_n3A_708 = arith.select %eq3A_706, %jit3A_707, %jit3A_704 : i32
      %rem3A_709 = arith.remsi %add3A_598, %select_n3A_708 : i32
      %ne3A_710 = arith.constant 0 : i32
      %ne3A_711 = arith.cmpi ne, %rem3A_709, %ne3A_710 : i32
      %lt3A_712 = arith.constant 0 : i32
      %lt3A_713 = arith.cmpi slt, %rem3A_709, %lt3A_712 : i32
      %lt3A_714 = arith.constant 0 : i32
      %lt3A_715 = arith.cmpi slt, %select_n3A_708, %lt3A_714 : i32
      %ne3A_716 = arith.xori %lt3A_713, %lt3A_715 : i1
      %and3A_717 = arith.andi %ne3A_716, %ne3A_711 : i1
      %add3A_718 = arith.addi %rem3A_709, %select_n3A_708 : i32
      %select_n3A_719 = arith.select %and3A_717, %add3A_718, %rem3A_709 : i32
      %mul3A_720 = arith.constant 4 : i32
      %mul3A_721 = arith.muli %select_n3A_719, %mul3A_720 : i32
      %dma_wait3A_722 = arith.constant 0 : i32
      %dma_wait3A_723 = arith.constant 0 : i32
      %dma_wait3A_724 = tpu.memref_slice %arg6[%arg1, %dma_wait3A_722, %dma_wait3A_723] : memref<16x4x4096xf32, #tpu.memory_space<vmem_shared>> -> memref<1x4x4096xf32, #tpu.memory_space<vmem_shared>>
      %dma_wait3A_725 = tpu.memref_squeeze %dma_wait3A_724 : memref<1x4x4096xf32, #tpu.memory_space<vmem_shared>> -> memref<4x4096xf32, #tpu.memory_space<vmem_shared>>
      %dma_wait3A_726 = arith.constant 0 : i32
      %dma_wait3A_727 = tpu.memref_slice %arg2[%add3A_703, %mul3A_721, %dma_wait3A_726] : memref<256x64x4096xf32, #tpu.memory_space<hbm>> -> memref<1x4x4096xf32, #tpu.memory_space<hbm>>
      %dma_wait3A_728 = tpu.memref_squeeze %dma_wait3A_727 : memref<1x4x4096xf32, #tpu.memory_space<hbm>> -> memref<4x4096xf32, #tpu.memory_space<hbm>>
      tpu.wait_dma2 semaphore(%arg10 : memref<!tpu.dma_semaphore, #tpu.memory_space<semaphore_mem>>) src(%dma_wait3A_728 : memref<4x4096xf32, #tpu.memory_space<hbm>>) dst(%dma_wait3A_725 : memref<4x4096xf32, #tpu.memory_space<vmem_shared>>)
      %jit3A_729 = arith.constant 16 : i32
      %div3A_730 = arith.divsi %add3A_598, %jit3A_729 : i32
      %sign3A_731 = arith.constant 0 : i32
      %sign3A_732 = arith.cmpi sgt, %add3A_598, %sign3A_731 : i32
      %sign3A_733 = arith.extui %sign3A_732 : i1 to i32
      %sign3A_734 = arith.constant 0 : i32
      %sign3A_735 = arith.cmpi slt, %add3A_598, %sign3A_734 : i32
      %sign3A_736 = arith.extui %sign3A_735 : i1 to i32
      %sign3A_737 = arith.subi %sign3A_733, %sign3A_736 : i32
      %sign3A_738 = arith.constant 0 : i32
      %sign3A_739 = arith.cmpi sgt, %jit3A_729, %sign3A_738 : i32
      %sign3A_740 = arith.extui %sign3A_739 : i1 to i32
      %sign3A_741 = arith.constant 0 : i32
      %sign3A_742 = arith.cmpi slt, %jit3A_729, %sign3A_741 : i32
      %sign3A_743 = arith.extui %sign3A_742 : i1 to i32
      %sign3A_744 = arith.subi %sign3A_740, %sign3A_743 : i32
      %ne3A_745 = arith.cmpi ne, %sign3A_737, %sign3A_744 : i32
      %rem3A_746 = arith.remsi %add3A_598, %jit3A_729 : i32
      %ne3A_747 = arith.constant 0 : i32
      %ne3A_748 = arith.cmpi ne, %rem3A_746, %ne3A_747 : i32
      %and3A_749 = arith.andi %ne3A_745, %ne3A_748 : i1
      %sub3A_750 = arith.constant 1 : i32
      %sub3A_751 = arith.subi %div3A_730, %sub3A_750 : i32
      %select_n3A_752 = arith.select %and3A_749, %sub3A_751, %div3A_730 : i32
      %add3A_753 = arith.addi %mul3A_2, %select_n3A_752 : i32
      %jit3A_754 = arith.constant 16 : i32
      %eq3A_755 = arith.constant 0 : i32
      %eq3A_756 = arith.cmpi eq, %jit3A_754, %eq3A_755 : i32
      %jit3A_757 = arith.constant 1 : i32
      %select_n3A_758 = arith.select %eq3A_756, %jit3A_757, %jit3A_754 : i32
      %rem3A_759 = arith.remsi %add3A_598, %select_n3A_758 : i32
      %ne3A_760 = arith.constant 0 : i32
      %ne3A_761 = arith.cmpi ne, %rem3A_759, %ne3A_760 : i32
      %lt3A_762 = arith.constant 0 : i32
      %lt3A_763 = arith.cmpi slt, %rem3A_759, %lt3A_762 : i32
      %lt3A_764 = arith.constant 0 : i32
      %lt3A_765 = arith.cmpi slt, %select_n3A_758, %lt3A_764 : i32
      %ne3A_766 = arith.xori %lt3A_763, %lt3A_765 : i1
      %and3A_767 = arith.andi %ne3A_766, %ne3A_761 : i1
      %add3A_768 = arith.addi %rem3A_759, %select_n3A_758 : i32
      %select_n3A_769 = arith.select %and3A_767, %add3A_768, %rem3A_759 : i32
      %mul3A_770 = arith.constant 4 : i32
      %mul3A_771 = arith.muli %select_n3A_769, %mul3A_770 : i32
      %dma_start3A_772 = arith.constant 0 : i32
      %dma_start3A_773 = tpu.memref_slice %arg3[%add3A_753, %mul3A_771, %dma_start3A_772] : memref<256x64x4096xf32, #tpu.memory_space<hbm>> -> memref<1x4x4096xf32, #tpu.memory_space<hbm>>
      %dma_start3A_774 = tpu.memref_squeeze %dma_start3A_773 : memref<1x4x4096xf32, #tpu.memory_space<hbm>> -> memref<4x4096xf32, #tpu.memory_space<hbm>>
      %dma_start3A_775 = arith.constant 0 : i32
      %dma_start3A_776 = arith.constant 0 : i32
      %dma_start3A_777 = tpu.memref_slice %arg6[%arg1, %dma_start3A_775, %dma_start3A_776] : memref<16x4x4096xf32, #tpu.memory_space<vmem_shared>> -> memref<1x4x4096xf32, #tpu.memory_space<vmem_shared>>
      %dma_start3A_778 = tpu.memref_squeeze %dma_start3A_777 : memref<1x4x4096xf32, #tpu.memory_space<vmem_shared>> -> memref<4x4096xf32, #tpu.memory_space<vmem_shared>>
      tpu.enqueue_dma source(%dma_start3A_778 : memref<4x4096xf32, #tpu.memory_space<vmem_shared>>) target(%dma_start3A_774 : memref<4x4096xf32, #tpu.memory_space<hbm>>) target_semaphore(%arg14 : memref<!tpu.dma_semaphore, #tpu.memory_space<semaphore_mem>>)
      %add3A_779 = arith.constant 2 : i32
      %add3A_780 = arith.addi %add3A_598, %add3A_779 : i32
      %lt3A_781 = arith.constant 128 : i32
      %lt3A_782 = arith.cmpi slt, %add3A_780, %lt3A_781 : i32
      %convert_element_type3A_783 = arith.extui %lt3A_782 : i1 to i32
      %cond3A_784 = arith.constant 0 : i32
      %cond3A_785 = arith.cmpi ne, %convert_element_type3A_783, %cond3A_784 : i32
      scf.if %cond3A_785 {
        %ge3A = arith.constant 4 : i32
        %ge3A_975 = arith.cmpi sge, %add3A_780, %ge3A : i32
        %convert_element_type3A_976 = arith.extui %ge3A_975 : i1 to i32
        %cond3A_977 = arith.constant 0 : i32
        %cond3A_978 = arith.cmpi ne, %convert_element_type3A_976, %cond3A_977 : i32
        scf.if %cond3A_978 {
          %jit3A_1109 = arith.constant 16 : i32
          %div3A_1110 = arith.divsi %add3A_598, %jit3A_1109 : i32
          %sign3A_1111 = arith.constant 0 : i32
          %sign3A_1112 = arith.cmpi sgt, %add3A_598, %sign3A_1111 : i32
          %sign3A_1113 = arith.extui %sign3A_1112 : i1 to i32
          %sign3A_1114 = arith.constant 0 : i32
          %sign3A_1115 = arith.cmpi slt, %add3A_598, %sign3A_1114 : i32
          %sign3A_1116 = arith.extui %sign3A_1115 : i1 to i32
          %sign3A_1117 = arith.subi %sign3A_1113, %sign3A_1116 : i32
          %sign3A_1118 = arith.constant 0 : i32
          %sign3A_1119 = arith.cmpi sgt, %jit3A_1109, %sign3A_1118 : i32
          %sign3A_1120 = arith.extui %sign3A_1119 : i1 to i32
          %sign3A_1121 = arith.constant 0 : i32
          %sign3A_1122 = arith.cmpi slt, %jit3A_1109, %sign3A_1121 : i32
          %sign3A_1123 = arith.extui %sign3A_1122 : i1 to i32
          %sign3A_1124 = arith.subi %sign3A_1120, %sign3A_1123 : i32
          %ne3A_1125 = arith.cmpi ne, %sign3A_1117, %sign3A_1124 : i32
          %rem3A_1126 = arith.remsi %add3A_598, %jit3A_1109 : i32
          %ne3A_1127 = arith.constant 0 : i32
          %ne3A_1128 = arith.cmpi ne, %rem3A_1126, %ne3A_1127 : i32
          %and3A_1129 = arith.andi %ne3A_1125, %ne3A_1128 : i1
          %sub3A_1130 = arith.constant 1 : i32
          %sub3A_1131 = arith.subi %div3A_1110, %sub3A_1130 : i32
          %select_n3A_1132 = arith.select %and3A_1129, %sub3A_1131, %div3A_1110 : i32
          %add3A_1133 = arith.addi %mul3A_2, %select_n3A_1132 : i32
          %jit3A_1134 = arith.constant 16 : i32
          %eq3A_1135 = arith.constant 0 : i32
          %eq3A_1136 = arith.cmpi eq, %jit3A_1134, %eq3A_1135 : i32
          %jit3A_1137 = arith.constant 1 : i32
          %select_n3A_1138 = arith.select %eq3A_1136, %jit3A_1137, %jit3A_1134 : i32
          %rem3A_1139 = arith.remsi %add3A_598, %select_n3A_1138 : i32
          %ne3A_1140 = arith.constant 0 : i32
          %ne3A_1141 = arith.cmpi ne, %rem3A_1139, %ne3A_1140 : i32
          %lt3A_1142 = arith.constant 0 : i32
          %lt3A_1143 = arith.cmpi slt, %rem3A_1139, %lt3A_1142 : i32
          %lt3A_1144 = arith.constant 0 : i32
          %lt3A_1145 = arith.cmpi slt, %select_n3A_1138, %lt3A_1144 : i32
          %ne3A_1146 = arith.xori %lt3A_1143, %lt3A_1145 : i1
          %and3A_1147 = arith.andi %ne3A_1146, %ne3A_1141 : i1
          %add3A_1148 = arith.addi %rem3A_1139, %select_n3A_1138 : i32
          %select_n3A_1149 = arith.select %and3A_1147, %add3A_1148, %rem3A_1139 : i32
          %mul3A_1150 = arith.constant 4 : i32
          %mul3A_1151 = arith.muli %select_n3A_1149, %mul3A_1150 : i32
          %dma_wait3A_1152 = arith.constant 0 : i32
          %dma_wait3A_1153 = tpu.memref_slice %arg3[%add3A_1133, %mul3A_1151, %dma_wait3A_1152] : memref<256x64x4096xf32, #tpu.memory_space<hbm>> -> memref<1x4x4096xf32, #tpu.memory_space<hbm>>
          %dma_wait3A_1154 = tpu.memref_squeeze %dma_wait3A_1153 : memref<1x4x4096xf32, #tpu.memory_space<hbm>> -> memref<4x4096xf32, #tpu.memory_space<hbm>>
          %dma_wait3A_1155 = arith.constant 0 : i32
          %dma_wait3A_1156 = arith.constant 0 : i32
          %dma_wait3A_1157 = tpu.memref_slice %arg4[%arg1, %dma_wait3A_1155, %dma_wait3A_1156] : memref<16x4x4096xf32, #tpu.memory_space<vmem_shared>> -> memref<1x4x4096xf32, #tpu.memory_space<vmem_shared>>
          %dma_wait3A_1158 = tpu.memref_squeeze %dma_wait3A_1157 : memref<1x4x4096xf32, #tpu.memory_space<vmem_shared>> -> memref<4x4096xf32, #tpu.memory_space<vmem_shared>>
          tpu.wait_dma2 semaphore(%arg12 : memref<!tpu.dma_semaphore, #tpu.memory_space<semaphore_mem>>) src(%dma_wait3A_1158 : memref<4x4096xf32, #tpu.memory_space<vmem_shared>>) dst(%dma_wait3A_1154 : memref<4x4096xf32, #tpu.memory_space<hbm>>)
        } else {
        }
        %jit3A_979 = arith.constant 16 : i32
        %div3A_980 = arith.divsi %add3A_780, %jit3A_979 : i32
        %sign3A_981 = arith.constant 0 : i32
        %sign3A_982 = arith.cmpi sgt, %add3A_780, %sign3A_981 : i32
        %sign3A_983 = arith.extui %sign3A_982 : i1 to i32
        %sign3A_984 = arith.constant 0 : i32
        %sign3A_985 = arith.cmpi slt, %add3A_780, %sign3A_984 : i32
        %sign3A_986 = arith.extui %sign3A_985 : i1 to i32
        %sign3A_987 = arith.subi %sign3A_983, %sign3A_986 : i32
        %sign3A_988 = arith.constant 0 : i32
        %sign3A_989 = arith.cmpi sgt, %jit3A_979, %sign3A_988 : i32
        %sign3A_990 = arith.extui %sign3A_989 : i1 to i32
        %sign3A_991 = arith.constant 0 : i32
        %sign3A_992 = arith.cmpi slt, %jit3A_979, %sign3A_991 : i32
        %sign3A_993 = arith.extui %sign3A_992 : i1 to i32
        %sign3A_994 = arith.subi %sign3A_990, %sign3A_993 : i32
        %ne3A_995 = arith.cmpi ne, %sign3A_987, %sign3A_994 : i32
        %rem3A_996 = arith.remsi %add3A_780, %jit3A_979 : i32
        %ne3A_997 = arith.constant 0 : i32
        %ne3A_998 = arith.cmpi ne, %rem3A_996, %ne3A_997 : i32
        %and3A_999 = arith.andi %ne3A_995, %ne3A_998 : i1
        %sub3A_1000 = arith.constant 1 : i32
        %sub3A_1001 = arith.subi %div3A_980, %sub3A_1000 : i32
        %select_n3A_1002 = arith.select %and3A_999, %sub3A_1001, %div3A_980 : i32
        %add3A_1003 = arith.addi %mul3A_2, %select_n3A_1002 : i32
        %jit3A_1004 = arith.constant 8 : i32
        %div3A_1005 = arith.divsi %add3A_1003, %jit3A_1004 : i32
        %sign3A_1006 = arith.constant 0 : i32
        %sign3A_1007 = arith.cmpi sgt, %add3A_1003, %sign3A_1006 : i32
        %sign3A_1008 = arith.extui %sign3A_1007 : i1 to i32
        %sign3A_1009 = arith.constant 0 : i32
        %sign3A_1010 = arith.cmpi slt, %add3A_1003, %sign3A_1009 : i32
        %sign3A_1011 = arith.extui %sign3A_1010 : i1 to i32
        %sign3A_1012 = arith.subi %sign3A_1008, %sign3A_1011 : i32
        %sign3A_1013 = arith.constant 0 : i32
        %sign3A_1014 = arith.cmpi sgt, %jit3A_1004, %sign3A_1013 : i32
        %sign3A_1015 = arith.extui %sign3A_1014 : i1 to i32
        %sign3A_1016 = arith.constant 0 : i32
        %sign3A_1017 = arith.cmpi slt, %jit3A_1004, %sign3A_1016 : i32
        %sign3A_1018 = arith.extui %sign3A_1017 : i1 to i32
        %sign3A_1019 = arith.subi %sign3A_1015, %sign3A_1018 : i32
        %ne3A_1020 = arith.cmpi ne, %sign3A_1012, %sign3A_1019 : i32
        %rem3A_1021 = arith.remsi %add3A_1003, %jit3A_1004 : i32
        %ne3A_1022 = arith.constant 0 : i32
        %ne3A_1023 = arith.cmpi ne, %rem3A_1021, %ne3A_1022 : i32
        %and3A_1024 = arith.andi %ne3A_1020, %ne3A_1023 : i1
        %sub3A_1025 = arith.constant 1 : i32
        %sub3A_1026 = arith.subi %div3A_1005, %sub3A_1025 : i32
        %select_n3A_1027 = arith.select %and3A_1024, %sub3A_1026, %div3A_1005 : i32
        %jit3A_1028 = arith.constant 8 : i32
        %eq3A_1029 = arith.constant 0 : i32
        %eq3A_1030 = arith.cmpi eq, %jit3A_1028, %eq3A_1029 : i32
        %jit3A_1031 = arith.constant 1 : i32
        %select_n3A_1032 = arith.select %eq3A_1030, %jit3A_1031, %jit3A_1028 : i32
        %rem3A_1033 = arith.remsi %add3A_1003, %select_n3A_1032 : i32
        %ne3A_1034 = arith.constant 0 : i32
        %ne3A_1035 = arith.cmpi ne, %rem3A_1033, %ne3A_1034 : i32
        %lt3A_1036 = arith.constant 0 : i32
        %lt3A_1037 = arith.cmpi slt, %rem3A_1033, %lt3A_1036 : i32
        %lt3A_1038 = arith.constant 0 : i32
        %lt3A_1039 = arith.cmpi slt, %select_n3A_1032, %lt3A_1038 : i32
        %ne3A_1040 = arith.xori %lt3A_1037, %lt3A_1039 : i1
        %and3A_1041 = arith.andi %ne3A_1040, %ne3A_1035 : i1
        %add3A_1042 = arith.addi %rem3A_1033, %select_n3A_1032 : i32
        %select_n3A_1043 = arith.select %and3A_1041, %add3A_1042, %rem3A_1033 : i32
        %mul3A_1044 = arith.constant 2 : i32
        %mul3A_1045 = arith.muli %mul3A_1044, %select_n3A_1043 : i32
        %add3A_1046 = arith.constant 1 : i32
        %add3A_1047 = arith.addi %mul3A_1045, %add3A_1046 : i32
        %mul3A_1048 = arith.muli %select_n3A_1027, %add3A_1047 : i32
        %jit3A_1049 = arith.constant 32 : i32
        %eq3A_1050 = arith.constant 0 : i32
        %eq3A_1051 = arith.cmpi eq, %jit3A_1049, %eq3A_1050 : i32
        %jit3A_1052 = arith.constant 1 : i32
        %select_n3A_1053 = arith.select %eq3A_1051, %jit3A_1052, %jit3A_1049 : i32
        %rem3A_1054 = arith.remsi %mul3A_1048, %select_n3A_1053 : i32
        %ne3A_1055 = arith.constant 0 : i32
        %ne3A_1056 = arith.cmpi ne, %rem3A_1054, %ne3A_1055 : i32
        %lt3A_1057 = arith.constant 0 : i32
        %lt3A_1058 = arith.cmpi slt, %rem3A_1054, %lt3A_1057 : i32
        %lt3A_1059 = arith.constant 0 : i32
        %lt3A_1060 = arith.cmpi slt, %select_n3A_1053, %lt3A_1059 : i32
        %ne3A_1061 = arith.xori %lt3A_1058, %lt3A_1060 : i1
        %and3A_1062 = arith.andi %ne3A_1061, %ne3A_1056 : i1
        %add3A_1063 = arith.addi %rem3A_1054, %select_n3A_1053 : i32
        %select_n3A_1064 = arith.select %and3A_1062, %add3A_1063, %rem3A_1054 : i32
        %mul3A_1065 = arith.constant 8 : i32
        %mul3A_1066 = arith.muli %select_n3A_1064, %mul3A_1065 : i32
        %jit3A_1067 = arith.constant 8 : i32
        %eq3A_1068 = arith.constant 0 : i32
        %eq3A_1069 = arith.cmpi eq, %jit3A_1067, %eq3A_1068 : i32
        %jit3A_1070 = arith.constant 1 : i32
        %select_n3A_1071 = arith.select %eq3A_1069, %jit3A_1070, %jit3A_1067 : i32
        %rem3A_1072 = arith.remsi %add3A_1003, %select_n3A_1071 : i32
        %ne3A_1073 = arith.constant 0 : i32
        %ne3A_1074 = arith.cmpi ne, %rem3A_1072, %ne3A_1073 : i32
        %lt3A_1075 = arith.constant 0 : i32
        %lt3A_1076 = arith.cmpi slt, %rem3A_1072, %lt3A_1075 : i32
        %lt3A_1077 = arith.constant 0 : i32
        %lt3A_1078 = arith.cmpi slt, %select_n3A_1071, %lt3A_1077 : i32
        %ne3A_1079 = arith.xori %lt3A_1076, %lt3A_1078 : i1
        %and3A_1080 = arith.andi %ne3A_1079, %ne3A_1074 : i1
        %add3A_1081 = arith.addi %rem3A_1072, %select_n3A_1071 : i32
        %select_n3A_1082 = arith.select %and3A_1080, %add3A_1081, %rem3A_1072 : i32
        %add3A_1083 = arith.addi %mul3A_1066, %select_n3A_1082 : i32
        %jit3A_1084 = arith.constant 16 : i32
        %eq3A_1085 = arith.constant 0 : i32
        %eq3A_1086 = arith.cmpi eq, %jit3A_1084, %eq3A_1085 : i32
        %jit3A_1087 = arith.constant 1 : i32
        %select_n3A_1088 = arith.select %eq3A_1086, %jit3A_1087, %jit3A_1084 : i32
        %rem3A_1089 = arith.remsi %add3A_780, %select_n3A_1088 : i32
        %ne3A_1090 = arith.constant 0 : i32
        %ne3A_1091 = arith.cmpi ne, %rem3A_1089, %ne3A_1090 : i32
        %lt3A_1092 = arith.constant 0 : i32
        %lt3A_1093 = arith.cmpi slt, %rem3A_1089, %lt3A_1092 : i32
        %lt3A_1094 = arith.constant 0 : i32
        %lt3A_1095 = arith.cmpi slt, %select_n3A_1088, %lt3A_1094 : i32
        %ne3A_1096 = arith.xori %lt3A_1093, %lt3A_1095 : i1
        %and3A_1097 = arith.andi %ne3A_1096, %ne3A_1091 : i1
        %add3A_1098 = arith.addi %rem3A_1089, %select_n3A_1088 : i32
        %select_n3A_1099 = arith.select %and3A_1097, %add3A_1098, %rem3A_1089 : i32
        %mul3A_1100 = arith.constant 4 : i32
        %mul3A_1101 = arith.muli %select_n3A_1099, %mul3A_1100 : i32
        %dma_start3A_1102 = arith.constant 0 : i32
        %dma_start3A_1103 = arith.constant 0 : i32
        %dma_start3A_1104 = tpu.memref_slice %arg4[%arg1, %dma_start3A_1102, %dma_start3A_1103] : memref<16x4x4096xf32, #tpu.memory_space<vmem_shared>> -> memref<1x4x4096xf32, #tpu.memory_space<vmem_shared>>
        %dma_start3A_1105 = tpu.memref_squeeze %dma_start3A_1104 : memref<1x4x4096xf32, #tpu.memory_space<vmem_shared>> -> memref<4x4096xf32, #tpu.memory_space<vmem_shared>>
        %dma_start3A_1106 = arith.constant 0 : i32
        %dma_start3A_1107 = tpu.memref_slice %arg2[%add3A_1083, %mul3A_1101, %dma_start3A_1106] : memref<256x64x4096xf32, #tpu.memory_space<hbm>> -> memref<1x4x4096xf32, #tpu.memory_space<hbm>>
        %dma_start3A_1108 = tpu.memref_squeeze %dma_start3A_1107 : memref<1x4x4096xf32, #tpu.memory_space<hbm>> -> memref<4x4096xf32, #tpu.memory_space<hbm>>
        tpu.enqueue_dma source(%dma_start3A_1108 : memref<4x4096xf32, #tpu.memory_space<hbm>>) target(%dma_start3A_1105 : memref<4x4096xf32, #tpu.memory_space<vmem_shared>>) target_semaphore(%arg8 : memref<!tpu.dma_semaphore, #tpu.memory_space<semaphore_mem>>)
      } else {
      }
      %mul3A_786 = arith.constant 4 : i32
      %mul3A_787 = arith.muli %mul3A_786, %scan3A_216 : i32
      %add3A_788 = arith.constant 3 : i32
      %add3A_789 = arith.addi %mul3A_787, %add3A_788 : i32
      %jit3A_790 = arith.constant 16 : i32
      %div3A_791 = arith.divsi %add3A_789, %jit3A_790 : i32
      %sign3A_792 = arith.constant 0 : i32
      %sign3A_793 = arith.cmpi sgt, %add3A_789, %sign3A_792 : i32
      %sign3A_794 = arith.extui %sign3A_793 : i1 to i32
      %sign3A_795 = arith.constant 0 : i32
      %sign3A_796 = arith.cmpi slt, %add3A_789, %sign3A_795 : i32
      %sign3A_797 = arith.extui %sign3A_796 : i1 to i32
      %sign3A_798 = arith.subi %sign3A_794, %sign3A_797 : i32
      %sign3A_799 = arith.constant 0 : i32
      %sign3A_800 = arith.cmpi sgt, %jit3A_790, %sign3A_799 : i32
      %sign3A_801 = arith.extui %sign3A_800 : i1 to i32
      %sign3A_802 = arith.constant 0 : i32
      %sign3A_803 = arith.cmpi slt, %jit3A_790, %sign3A_802 : i32
      %sign3A_804 = arith.extui %sign3A_803 : i1 to i32
      %sign3A_805 = arith.subi %sign3A_801, %sign3A_804 : i32
      %ne3A_806 = arith.cmpi ne, %sign3A_798, %sign3A_805 : i32
      %rem3A_807 = arith.remsi %add3A_789, %jit3A_790 : i32
      %ne3A_808 = arith.constant 0 : i32
      %ne3A_809 = arith.cmpi ne, %rem3A_807, %ne3A_808 : i32
      %and3A_810 = arith.andi %ne3A_806, %ne3A_809 : i1
      %sub3A_811 = arith.constant 1 : i32
      %sub3A_812 = arith.subi %div3A_791, %sub3A_811 : i32
      %select_n3A_813 = arith.select %and3A_810, %sub3A_812, %div3A_791 : i32
      %add3A_814 = arith.addi %mul3A_2, %select_n3A_813 : i32
      %jit3A_815 = arith.constant 8 : i32
      %div3A_816 = arith.divsi %add3A_814, %jit3A_815 : i32
      %sign3A_817 = arith.constant 0 : i32
      %sign3A_818 = arith.cmpi sgt, %add3A_814, %sign3A_817 : i32
      %sign3A_819 = arith.extui %sign3A_818 : i1 to i32
      %sign3A_820 = arith.constant 0 : i32
      %sign3A_821 = arith.cmpi slt, %add3A_814, %sign3A_820 : i32
      %sign3A_822 = arith.extui %sign3A_821 : i1 to i32
      %sign3A_823 = arith.subi %sign3A_819, %sign3A_822 : i32
      %sign3A_824 = arith.constant 0 : i32
      %sign3A_825 = arith.cmpi sgt, %jit3A_815, %sign3A_824 : i32
      %sign3A_826 = arith.extui %sign3A_825 : i1 to i32
      %sign3A_827 = arith.constant 0 : i32
      %sign3A_828 = arith.cmpi slt, %jit3A_815, %sign3A_827 : i32
      %sign3A_829 = arith.extui %sign3A_828 : i1 to i32
      %sign3A_830 = arith.subi %sign3A_826, %sign3A_829 : i32
      %ne3A_831 = arith.cmpi ne, %sign3A_823, %sign3A_830 : i32
      %rem3A_832 = arith.remsi %add3A_814, %jit3A_815 : i32
      %ne3A_833 = arith.constant 0 : i32
      %ne3A_834 = arith.cmpi ne, %rem3A_832, %ne3A_833 : i32
      %and3A_835 = arith.andi %ne3A_831, %ne3A_834 : i1
      %sub3A_836 = arith.constant 1 : i32
      %sub3A_837 = arith.subi %div3A_816, %sub3A_836 : i32
      %select_n3A_838 = arith.select %and3A_835, %sub3A_837, %div3A_816 : i32
      %jit3A_839 = arith.constant 8 : i32
      %eq3A_840 = arith.constant 0 : i32
      %eq3A_841 = arith.cmpi eq, %jit3A_839, %eq3A_840 : i32
      %jit3A_842 = arith.constant 1 : i32
      %select_n3A_843 = arith.select %eq3A_841, %jit3A_842, %jit3A_839 : i32
      %rem3A_844 = arith.remsi %add3A_814, %select_n3A_843 : i32
      %ne3A_845 = arith.constant 0 : i32
      %ne3A_846 = arith.cmpi ne, %rem3A_844, %ne3A_845 : i32
      %lt3A_847 = arith.constant 0 : i32
      %lt3A_848 = arith.cmpi slt, %rem3A_844, %lt3A_847 : i32
      %lt3A_849 = arith.constant 0 : i32
      %lt3A_850 = arith.cmpi slt, %select_n3A_843, %lt3A_849 : i32
      %ne3A_851 = arith.xori %lt3A_848, %lt3A_850 : i1
      %and3A_852 = arith.andi %ne3A_851, %ne3A_846 : i1
      %add3A_853 = arith.addi %rem3A_844, %select_n3A_843 : i32
      %select_n3A_854 = arith.select %and3A_852, %add3A_853, %rem3A_844 : i32
      %mul3A_855 = arith.constant 2 : i32
      %mul3A_856 = arith.muli %mul3A_855, %select_n3A_854 : i32
      %add3A_857 = arith.constant 1 : i32
      %add3A_858 = arith.addi %mul3A_856, %add3A_857 : i32
      %mul3A_859 = arith.muli %select_n3A_838, %add3A_858 : i32
      %jit3A_860 = arith.constant 32 : i32
      %eq3A_861 = arith.constant 0 : i32
      %eq3A_862 = arith.cmpi eq, %jit3A_860, %eq3A_861 : i32
      %jit3A_863 = arith.constant 1 : i32
      %select_n3A_864 = arith.select %eq3A_862, %jit3A_863, %jit3A_860 : i32
      %rem3A_865 = arith.remsi %mul3A_859, %select_n3A_864 : i32
      %ne3A_866 = arith.constant 0 : i32
      %ne3A_867 = arith.cmpi ne, %rem3A_865, %ne3A_866 : i32
      %lt3A_868 = arith.constant 0 : i32
      %lt3A_869 = arith.cmpi slt, %rem3A_865, %lt3A_868 : i32
      %lt3A_870 = arith.constant 0 : i32
      %lt3A_871 = arith.cmpi slt, %select_n3A_864, %lt3A_870 : i32
      %ne3A_872 = arith.xori %lt3A_869, %lt3A_871 : i1
      %and3A_873 = arith.andi %ne3A_872, %ne3A_867 : i1
      %add3A_874 = arith.addi %rem3A_865, %select_n3A_864 : i32
      %select_n3A_875 = arith.select %and3A_873, %add3A_874, %rem3A_865 : i32
      %mul3A_876 = arith.constant 8 : i32
      %mul3A_877 = arith.muli %select_n3A_875, %mul3A_876 : i32
      %jit3A_878 = arith.constant 8 : i32
      %eq3A_879 = arith.constant 0 : i32
      %eq3A_880 = arith.cmpi eq, %jit3A_878, %eq3A_879 : i32
      %jit3A_881 = arith.constant 1 : i32
      %select_n3A_882 = arith.select %eq3A_880, %jit3A_881, %jit3A_878 : i32
      %rem3A_883 = arith.remsi %add3A_814, %select_n3A_882 : i32
      %ne3A_884 = arith.constant 0 : i32
      %ne3A_885 = arith.cmpi ne, %rem3A_883, %ne3A_884 : i32
      %lt3A_886 = arith.constant 0 : i32
      %lt3A_887 = arith.cmpi slt, %rem3A_883, %lt3A_886 : i32
      %lt3A_888 = arith.constant 0 : i32
      %lt3A_889 = arith.cmpi slt, %select_n3A_882, %lt3A_888 : i32
      %ne3A_890 = arith.xori %lt3A_887, %lt3A_889 : i1
      %and3A_891 = arith.andi %ne3A_890, %ne3A_885 : i1
      %add3A_892 = arith.addi %rem3A_883, %select_n3A_882 : i32
      %select_n3A_893 = arith.select %and3A_891, %add3A_892, %rem3A_883 : i32
      %add3A_894 = arith.addi %mul3A_877, %select_n3A_893 : i32
      %jit3A_895 = arith.constant 16 : i32
      %eq3A_896 = arith.constant 0 : i32
      %eq3A_897 = arith.cmpi eq, %jit3A_895, %eq3A_896 : i32
      %jit3A_898 = arith.constant 1 : i32
      %select_n3A_899 = arith.select %eq3A_897, %jit3A_898, %jit3A_895 : i32
      %rem3A_900 = arith.remsi %add3A_789, %select_n3A_899 : i32
      %ne3A_901 = arith.constant 0 : i32
      %ne3A_902 = arith.cmpi ne, %rem3A_900, %ne3A_901 : i32
      %lt3A_903 = arith.constant 0 : i32
      %lt3A_904 = arith.cmpi slt, %rem3A_900, %lt3A_903 : i32
      %lt3A_905 = arith.constant 0 : i32
      %lt3A_906 = arith.cmpi slt, %select_n3A_899, %lt3A_905 : i32
      %ne3A_907 = arith.xori %lt3A_904, %lt3A_906 : i1
      %and3A_908 = arith.andi %ne3A_907, %ne3A_902 : i1
      %add3A_909 = arith.addi %rem3A_900, %select_n3A_899 : i32
      %select_n3A_910 = arith.select %and3A_908, %add3A_909, %rem3A_900 : i32
      %mul3A_911 = arith.constant 4 : i32
      %mul3A_912 = arith.muli %select_n3A_910, %mul3A_911 : i32
      %dma_wait3A_913 = arith.constant 0 : i32
      %dma_wait3A_914 = tpu.memref_slice %arg2[%add3A_894, %mul3A_912, %dma_wait3A_913] : memref<256x64x4096xf32, #tpu.memory_space<hbm>> -> memref<1x4x4096xf32, #tpu.memory_space<hbm>>
      %dma_wait3A_915 = tpu.memref_squeeze %dma_wait3A_914 : memref<1x4x4096xf32, #tpu.memory_space<hbm>> -> memref<4x4096xf32, #tpu.memory_space<hbm>>
      %dma_wait3A_916 = arith.constant 0 : i32
      %dma_wait3A_917 = tpu.memref_slice %arg2[%add3A_894, %mul3A_912, %dma_wait3A_916] : memref<256x64x4096xf32, #tpu.memory_space<hbm>> -> memref<1x4x4096xf32, #tpu.memory_space<hbm>>
      %dma_wait3A_918 = tpu.memref_squeeze %dma_wait3A_917 : memref<1x4x4096xf32, #tpu.memory_space<hbm>> -> memref<4x4096xf32, #tpu.memory_space<hbm>>
      tpu.wait_dma2 semaphore(%arg11 : memref<!tpu.dma_semaphore, #tpu.memory_space<semaphore_mem>>) src(%dma_wait3A_918 : memref<4x4096xf32, #tpu.memory_space<hbm>>) dst(%arg7 : memref<4x4096xf32, #tpu.memory_space<vmem>>)
      %jit3A_919 = arith.constant 16 : i32
      %div3A_920 = arith.divsi %add3A_789, %jit3A_919 : i32
      %sign3A_921 = arith.constant 0 : i32
      %sign3A_922 = arith.cmpi sgt, %add3A_789, %sign3A_921 : i32
      %sign3A_923 = arith.extui %sign3A_922 : i1 to i32
      %sign3A_924 = arith.constant 0 : i32
      %sign3A_925 = arith.cmpi slt, %add3A_789, %sign3A_924 : i32
      %sign3A_926 = arith.extui %sign3A_925 : i1 to i32
      %sign3A_927 = arith.subi %sign3A_923, %sign3A_926 : i32
      %sign3A_928 = arith.constant 0 : i32
      %sign3A_929 = arith.cmpi sgt, %jit3A_919, %sign3A_928 : i32
      %sign3A_930 = arith.extui %sign3A_929 : i1 to i32
      %sign3A_931 = arith.constant 0 : i32
      %sign3A_932 = arith.cmpi slt, %jit3A_919, %sign3A_931 : i32
      %sign3A_933 = arith.extui %sign3A_932 : i1 to i32
      %sign3A_934 = arith.subi %sign3A_930, %sign3A_933 : i32
      %ne3A_935 = arith.cmpi ne, %sign3A_927, %sign3A_934 : i32
      %rem3A_936 = arith.remsi %add3A_789, %jit3A_919 : i32
      %ne3A_937 = arith.constant 0 : i32
      %ne3A_938 = arith.cmpi ne, %rem3A_936, %ne3A_937 : i32
      %and3A_939 = arith.andi %ne3A_935, %ne3A_938 : i1
      %sub3A_940 = arith.constant 1 : i32
      %sub3A_941 = arith.subi %div3A_920, %sub3A_940 : i32
      %select_n3A_942 = arith.select %and3A_939, %sub3A_941, %div3A_920 : i32
      %add3A_943 = arith.addi %mul3A_2, %select_n3A_942 : i32
      %jit3A_944 = arith.constant 16 : i32
      %eq3A_945 = arith.constant 0 : i32
      %eq3A_946 = arith.cmpi eq, %jit3A_944, %eq3A_945 : i32
      %jit3A_947 = arith.constant 1 : i32
      %select_n3A_948 = arith.select %eq3A_946, %jit3A_947, %jit3A_944 : i32
      %rem3A_949 = arith.remsi %add3A_789, %select_n3A_948 : i32
      %ne3A_950 = arith.constant 0 : i32
      %ne3A_951 = arith.cmpi ne, %rem3A_949, %ne3A_950 : i32
      %lt3A_952 = arith.constant 0 : i32
      %lt3A_953 = arith.cmpi slt, %rem3A_949, %lt3A_952 : i32
      %lt3A_954 = arith.constant 0 : i32
      %lt3A_955 = arith.cmpi slt, %select_n3A_948, %lt3A_954 : i32
      %ne3A_956 = arith.xori %lt3A_953, %lt3A_955 : i1
      %and3A_957 = arith.andi %ne3A_956, %ne3A_951 : i1
      %add3A_958 = arith.addi %rem3A_949, %select_n3A_948 : i32
      %select_n3A_959 = arith.select %and3A_957, %add3A_958, %rem3A_949 : i32
      %mul3A_960 = arith.constant 4 : i32
      %mul3A_961 = arith.muli %select_n3A_959, %mul3A_960 : i32
      %dma_start3A_962 = arith.constant 0 : i32
      %dma_start3A_963 = tpu.memref_slice %arg3[%add3A_943, %mul3A_961, %dma_start3A_962] : memref<256x64x4096xf32, #tpu.memory_space<hbm>> -> memref<1x4x4096xf32, #tpu.memory_space<hbm>>
      %dma_start3A_964 = tpu.memref_squeeze %dma_start3A_963 : memref<1x4x4096xf32, #tpu.memory_space<hbm>> -> memref<4x4096xf32, #tpu.memory_space<hbm>>
      %dma_start3A_965 = arith.constant 0 : i32
      %dma_start3A_966 = tpu.memref_slice %arg3[%add3A_943, %mul3A_961, %dma_start3A_965] : memref<256x64x4096xf32, #tpu.memory_space<hbm>> -> memref<1x4x4096xf32, #tpu.memory_space<hbm>>
      %dma_start3A_967 = tpu.memref_squeeze %dma_start3A_966 : memref<1x4x4096xf32, #tpu.memory_space<hbm>> -> memref<4x4096xf32, #tpu.memory_space<hbm>>
      tpu.enqueue_dma source(%arg7 : memref<4x4096xf32, #tpu.memory_space<vmem>>) target(%dma_start3A_967 : memref<4x4096xf32, #tpu.memory_space<hbm>>) target_semaphore(%arg15 : memref<!tpu.dma_semaphore, #tpu.memory_space<semaphore_mem>>)
      %add3A_968 = arith.constant 2 : i32
      %add3A_969 = arith.addi %add3A_789, %add3A_968 : i32
      %lt3A_970 = arith.constant 128 : i32
      %lt3A_971 = arith.cmpi slt, %add3A_969, %lt3A_970 : i32
      %convert_element_type3A_972 = arith.extui %lt3A_971 : i1 to i32
      %cond3A_973 = arith.constant 0 : i32
      %cond3A_974 = arith.cmpi ne, %convert_element_type3A_972, %cond3A_973 : i32
      scf.if %cond3A_974 {
        %ge3A = arith.constant 4 : i32
        %ge3A_975 = arith.cmpi sge, %add3A_969, %ge3A : i32
        %convert_element_type3A_976 = arith.extui %ge3A_975 : i1 to i32
        %cond3A_977 = arith.constant 0 : i32
        %cond3A_978 = arith.cmpi ne, %convert_element_type3A_976, %cond3A_977 : i32
        scf.if %cond3A_978 {
          %jit3A_1108 = arith.constant 16 : i32
          %div3A_1109 = arith.divsi %add3A_789, %jit3A_1108 : i32
          %sign3A_1110 = arith.constant 0 : i32
          %sign3A_1111 = arith.cmpi sgt, %add3A_789, %sign3A_1110 : i32
          %sign3A_1112 = arith.extui %sign3A_1111 : i1 to i32
          %sign3A_1113 = arith.constant 0 : i32
          %sign3A_1114 = arith.cmpi slt, %add3A_789, %sign3A_1113 : i32
          %sign3A_1115 = arith.extui %sign3A_1114 : i1 to i32
          %sign3A_1116 = arith.subi %sign3A_1112, %sign3A_1115 : i32
          %sign3A_1117 = arith.constant 0 : i32
          %sign3A_1118 = arith.cmpi sgt, %jit3A_1108, %sign3A_1117 : i32
          %sign3A_1119 = arith.extui %sign3A_1118 : i1 to i32
          %sign3A_1120 = arith.constant 0 : i32
          %sign3A_1121 = arith.cmpi slt, %jit3A_1108, %sign3A_1120 : i32
          %sign3A_1122 = arith.extui %sign3A_1121 : i1 to i32
          %sign3A_1123 = arith.subi %sign3A_1119, %sign3A_1122 : i32
          %ne3A_1124 = arith.cmpi ne, %sign3A_1116, %sign3A_1123 : i32
          %rem3A_1125 = arith.remsi %add3A_789, %jit3A_1108 : i32
          %ne3A_1126 = arith.constant 0 : i32
          %ne3A_1127 = arith.cmpi ne, %rem3A_1125, %ne3A_1126 : i32
          %and3A_1128 = arith.andi %ne3A_1124, %ne3A_1127 : i1
          %sub3A_1129 = arith.constant 1 : i32
          %sub3A_1130 = arith.subi %div3A_1109, %sub3A_1129 : i32
          %select_n3A_1131 = arith.select %and3A_1128, %sub3A_1130, %div3A_1109 : i32
          %add3A_1132 = arith.addi %mul3A_2, %select_n3A_1131 : i32
          %jit3A_1133 = arith.constant 16 : i32
          %eq3A_1134 = arith.constant 0 : i32
          %eq3A_1135 = arith.cmpi eq, %jit3A_1133, %eq3A_1134 : i32
          %jit3A_1136 = arith.constant 1 : i32
          %select_n3A_1137 = arith.select %eq3A_1135, %jit3A_1136, %jit3A_1133 : i32
          %rem3A_1138 = arith.remsi %add3A_789, %select_n3A_1137 : i32
          %ne3A_1139 = arith.constant 0 : i32
          %ne3A_1140 = arith.cmpi ne, %rem3A_1138, %ne3A_1139 : i32
          %lt3A_1141 = arith.constant 0 : i32
          %lt3A_1142 = arith.cmpi slt, %rem3A_1138, %lt3A_1141 : i32
          %lt3A_1143 = arith.constant 0 : i32
          %lt3A_1144 = arith.cmpi slt, %select_n3A_1137, %lt3A_1143 : i32
          %ne3A_1145 = arith.xori %lt3A_1142, %lt3A_1144 : i1
          %and3A_1146 = arith.andi %ne3A_1145, %ne3A_1140 : i1
          %add3A_1147 = arith.addi %rem3A_1138, %select_n3A_1137 : i32
          %select_n3A_1148 = arith.select %and3A_1146, %add3A_1147, %rem3A_1138 : i32
          %mul3A_1149 = arith.constant 4 : i32
          %mul3A_1150 = arith.muli %select_n3A_1148, %mul3A_1149 : i32
          %dma_wait3A_1151 = arith.constant 0 : i32
          %dma_wait3A_1152 = tpu.memref_slice %arg3[%add3A_1132, %mul3A_1150, %dma_wait3A_1151] : memref<256x64x4096xf32, #tpu.memory_space<hbm>> -> memref<1x4x4096xf32, #tpu.memory_space<hbm>>
          %dma_wait3A_1153 = tpu.memref_squeeze %dma_wait3A_1152 : memref<1x4x4096xf32, #tpu.memory_space<hbm>> -> memref<4x4096xf32, #tpu.memory_space<hbm>>
          %dma_wait3A_1154 = arith.constant 0 : i32
          %dma_wait3A_1155 = tpu.memref_slice %arg3[%add3A_1132, %mul3A_1150, %dma_wait3A_1154] : memref<256x64x4096xf32, #tpu.memory_space<hbm>> -> memref<1x4x4096xf32, #tpu.memory_space<hbm>>
          %dma_wait3A_1156 = tpu.memref_squeeze %dma_wait3A_1155 : memref<1x4x4096xf32, #tpu.memory_space<hbm>> -> memref<4x4096xf32, #tpu.memory_space<hbm>>
          tpu.wait_dma2 semaphore(%arg13 : memref<!tpu.dma_semaphore, #tpu.memory_space<semaphore_mem>>) src(%arg5 : memref<4x4096xf32, #tpu.memory_space<vmem>>) dst(%dma_wait3A_1156 : memref<4x4096xf32, #tpu.memory_space<hbm>>)
        } else {
        }
        %jit3A_979 = arith.constant 16 : i32
        %div3A_980 = arith.divsi %add3A_969, %jit3A_979 : i32
        %sign3A_981 = arith.constant 0 : i32
        %sign3A_982 = arith.cmpi sgt, %add3A_969, %sign3A_981 : i32
        %sign3A_983 = arith.extui %sign3A_982 : i1 to i32
        %sign3A_984 = arith.constant 0 : i32
        %sign3A_985 = arith.cmpi slt, %add3A_969, %sign3A_984 : i32
        %sign3A_986 = arith.extui %sign3A_985 : i1 to i32
        %sign3A_987 = arith.subi %sign3A_983, %sign3A_986 : i32
        %sign3A_988 = arith.constant 0 : i32
        %sign3A_989 = arith.cmpi sgt, %jit3A_979, %sign3A_988 : i32
        %sign3A_990 = arith.extui %sign3A_989 : i1 to i32
        %sign3A_991 = arith.constant 0 : i32
        %sign3A_992 = arith.cmpi slt, %jit3A_979, %sign3A_991 : i32
        %sign3A_993 = arith.extui %sign3A_992 : i1 to i32
        %sign3A_994 = arith.subi %sign3A_990, %sign3A_993 : i32
        %ne3A_995 = arith.cmpi ne, %sign3A_987, %sign3A_994 : i32
        %rem3A_996 = arith.remsi %add3A_969, %jit3A_979 : i32
        %ne3A_997 = arith.constant 0 : i32
        %ne3A_998 = arith.cmpi ne, %rem3A_996, %ne3A_997 : i32
        %and3A_999 = arith.andi %ne3A_995, %ne3A_998 : i1
        %sub3A_1000 = arith.constant 1 : i32
        %sub3A_1001 = arith.subi %div3A_980, %sub3A_1000 : i32
        %select_n3A_1002 = arith.select %and3A_999, %sub3A_1001, %div3A_980 : i32
        %add3A_1003 = arith.addi %mul3A_2, %select_n3A_1002 : i32
        %jit3A_1004 = arith.constant 8 : i32
        %div3A_1005 = arith.divsi %add3A_1003, %jit3A_1004 : i32
        %sign3A_1006 = arith.constant 0 : i32
        %sign3A_1007 = arith.cmpi sgt, %add3A_1003, %sign3A_1006 : i32
        %sign3A_1008 = arith.extui %sign3A_1007 : i1 to i32
        %sign3A_1009 = arith.constant 0 : i32
        %sign3A_1010 = arith.cmpi slt, %add3A_1003, %sign3A_1009 : i32
        %sign3A_1011 = arith.extui %sign3A_1010 : i1 to i32
        %sign3A_1012 = arith.subi %sign3A_1008, %sign3A_1011 : i32
        %sign3A_1013 = arith.constant 0 : i32
        %sign3A_1014 = arith.cmpi sgt, %jit3A_1004, %sign3A_1013 : i32
        %sign3A_1015 = arith.extui %sign3A_1014 : i1 to i32
        %sign3A_1016 = arith.constant 0 : i32
        %sign3A_1017 = arith.cmpi slt, %jit3A_1004, %sign3A_1016 : i32
        %sign3A_1018 = arith.extui %sign3A_1017 : i1 to i32
        %sign3A_1019 = arith.subi %sign3A_1015, %sign3A_1018 : i32
        %ne3A_1020 = arith.cmpi ne, %sign3A_1012, %sign3A_1019 : i32
        %rem3A_1021 = arith.remsi %add3A_1003, %jit3A_1004 : i32
        %ne3A_1022 = arith.constant 0 : i32
        %ne3A_1023 = arith.cmpi ne, %rem3A_1021, %ne3A_1022 : i32
        %and3A_1024 = arith.andi %ne3A_1020, %ne3A_1023 : i1
        %sub3A_1025 = arith.constant 1 : i32
        %sub3A_1026 = arith.subi %div3A_1005, %sub3A_1025 : i32
        %select_n3A_1027 = arith.select %and3A_1024, %sub3A_1026, %div3A_1005 : i32
        %jit3A_1028 = arith.constant 8 : i32
        %eq3A_1029 = arith.constant 0 : i32
        %eq3A_1030 = arith.cmpi eq, %jit3A_1028, %eq3A_1029 : i32
        %jit3A_1031 = arith.constant 1 : i32
        %select_n3A_1032 = arith.select %eq3A_1030, %jit3A_1031, %jit3A_1028 : i32
        %rem3A_1033 = arith.remsi %add3A_1003, %select_n3A_1032 : i32
        %ne3A_1034 = arith.constant 0 : i32
        %ne3A_1035 = arith.cmpi ne, %rem3A_1033, %ne3A_1034 : i32
        %lt3A_1036 = arith.constant 0 : i32
        %lt3A_1037 = arith.cmpi slt, %rem3A_1033, %lt3A_1036 : i32
        %lt3A_1038 = arith.constant 0 : i32
        %lt3A_1039 = arith.cmpi slt, %select_n3A_1032, %lt3A_1038 : i32
        %ne3A_1040 = arith.xori %lt3A_1037, %lt3A_1039 : i1
        %and3A_1041 = arith.andi %ne3A_1040, %ne3A_1035 : i1
        %add3A_1042 = arith.addi %rem3A_1033, %select_n3A_1032 : i32
        %select_n3A_1043 = arith.select %and3A_1041, %add3A_1042, %rem3A_1033 : i32
        %mul3A_1044 = arith.constant 2 : i32
        %mul3A_1045 = arith.muli %mul3A_1044, %select_n3A_1043 : i32
        %add3A_1046 = arith.constant 1 : i32
        %add3A_1047 = arith.addi %mul3A_1045, %add3A_1046 : i32
        %mul3A_1048 = arith.muli %select_n3A_1027, %add3A_1047 : i32
        %jit3A_1049 = arith.constant 32 : i32
        %eq3A_1050 = arith.constant 0 : i32
        %eq3A_1051 = arith.cmpi eq, %jit3A_1049, %eq3A_1050 : i32
        %jit3A_1052 = arith.constant 1 : i32
        %select_n3A_1053 = arith.select %eq3A_1051, %jit3A_1052, %jit3A_1049 : i32
        %rem3A_1054 = arith.remsi %mul3A_1048, %select_n3A_1053 : i32
        %ne3A_1055 = arith.constant 0 : i32
        %ne3A_1056 = arith.cmpi ne, %rem3A_1054, %ne3A_1055 : i32
        %lt3A_1057 = arith.constant 0 : i32
        %lt3A_1058 = arith.cmpi slt, %rem3A_1054, %lt3A_1057 : i32
        %lt3A_1059 = arith.constant 0 : i32
        %lt3A_1060 = arith.cmpi slt, %select_n3A_1053, %lt3A_1059 : i32
        %ne3A_1061 = arith.xori %lt3A_1058, %lt3A_1060 : i1
        %and3A_1062 = arith.andi %ne3A_1061, %ne3A_1056 : i1
        %add3A_1063 = arith.addi %rem3A_1054, %select_n3A_1053 : i32
        %select_n3A_1064 = arith.select %and3A_1062, %add3A_1063, %rem3A_1054 : i32
        %mul3A_1065 = arith.constant 8 : i32
        %mul3A_1066 = arith.muli %select_n3A_1064, %mul3A_1065 : i32
        %jit3A_1067 = arith.constant 8 : i32
        %eq3A_1068 = arith.constant 0 : i32
        %eq3A_1069 = arith.cmpi eq, %jit3A_1067, %eq3A_1068 : i32
        %jit3A_1070 = arith.constant 1 : i32
        %select_n3A_1071 = arith.select %eq3A_1069, %jit3A_1070, %jit3A_1067 : i32
        %rem3A_1072 = arith.remsi %add3A_1003, %select_n3A_1071 : i32
        %ne3A_1073 = arith.constant 0 : i32
        %ne3A_1074 = arith.cmpi ne, %rem3A_1072, %ne3A_1073 : i32
        %lt3A_1075 = arith.constant 0 : i32
        %lt3A_1076 = arith.cmpi slt, %rem3A_1072, %lt3A_1075 : i32
        %lt3A_1077 = arith.constant 0 : i32
        %lt3A_1078 = arith.cmpi slt, %select_n3A_1071, %lt3A_1077 : i32
        %ne3A_1079 = arith.xori %lt3A_1076, %lt3A_1078 : i1
        %and3A_1080 = arith.andi %ne3A_1079, %ne3A_1074 : i1
        %add3A_1081 = arith.addi %rem3A_1072, %select_n3A_1071 : i32
        %select_n3A_1082 = arith.select %and3A_1080, %add3A_1081, %rem3A_1072 : i32
        %add3A_1083 = arith.addi %mul3A_1066, %select_n3A_1082 : i32
        %jit3A_1084 = arith.constant 16 : i32
        %eq3A_1085 = arith.constant 0 : i32
        %eq3A_1086 = arith.cmpi eq, %jit3A_1084, %eq3A_1085 : i32
        %jit3A_1087 = arith.constant 1 : i32
        %select_n3A_1088 = arith.select %eq3A_1086, %jit3A_1087, %jit3A_1084 : i32
        %rem3A_1089 = arith.remsi %add3A_969, %select_n3A_1088 : i32
        %ne3A_1090 = arith.constant 0 : i32
        %ne3A_1091 = arith.cmpi ne, %rem3A_1089, %ne3A_1090 : i32
        %lt3A_1092 = arith.constant 0 : i32
        %lt3A_1093 = arith.cmpi slt, %rem3A_1089, %lt3A_1092 : i32
        %lt3A_1094 = arith.constant 0 : i32
        %lt3A_1095 = arith.cmpi slt, %select_n3A_1088, %lt3A_1094 : i32
        %ne3A_1096 = arith.xori %lt3A_1093, %lt3A_1095 : i1
        %and3A_1097 = arith.andi %ne3A_1096, %ne3A_1091 : i1
        %add3A_1098 = arith.addi %rem3A_1089, %select_n3A_1088 : i32
        %select_n3A_1099 = arith.select %and3A_1097, %add3A_1098, %rem3A_1089 : i32
        %mul3A_1100 = arith.constant 4 : i32
        %mul3A_1101 = arith.muli %select_n3A_1099, %mul3A_1100 : i32
        %dma_start3A_1102 = arith.constant 0 : i32
        %dma_start3A_1103 = tpu.memref_slice %arg2[%add3A_1083, %mul3A_1101, %dma_start3A_1102] : memref<256x64x4096xf32, #tpu.memory_space<hbm>> -> memref<1x4x4096xf32, #tpu.memory_space<hbm>>
        %dma_start3A_1104 = tpu.memref_squeeze %dma_start3A_1103 : memref<1x4x4096xf32, #tpu.memory_space<hbm>> -> memref<4x4096xf32, #tpu.memory_space<hbm>>
        %dma_start3A_1105 = arith.constant 0 : i32
        %dma_start3A_1106 = tpu.memref_slice %arg2[%add3A_1083, %mul3A_1101, %dma_start3A_1105] : memref<256x64x4096xf32, #tpu.memory_space<hbm>> -> memref<1x4x4096xf32, #tpu.memory_space<hbm>>
        %dma_start3A_1107 = tpu.memref_squeeze %dma_start3A_1106 : memref<1x4x4096xf32, #tpu.memory_space<hbm>> -> memref<4x4096xf32, #tpu.memory_space<hbm>>
        tpu.enqueue_dma source(%dma_start3A_1107 : memref<4x4096xf32, #tpu.memory_space<hbm>>) target(%arg5 : memref<4x4096xf32, #tpu.memory_space<vmem>>) target_semaphore(%arg9 : memref<!tpu.dma_semaphore, #tpu.memory_space<semaphore_mem>>)
      } else {
      }
    }
    %scan3A_176 = arith.constant 32 : i32
    %add3A_177 = arith.constant 0 : i32
    %add3A_178 = arith.addi %mul3A_2, %add3A_177 : i32
    %dma_wait3A = arith.constant 0 : i32
    %dma_wait3A_179 = arith.constant 0 : i32
    %dma_wait3A_180 = tpu.memref_slice %arg3[%add3A_178, %dma_wait3A, %dma_wait3A_179] : memref<256x64x4096xf32, #tpu.memory_space<hbm>> -> memref<1x4x4096xf32, #tpu.memory_space<hbm>>
    %dma_wait3A_181 = tpu.memref_squeeze %dma_wait3A_180 : memref<1x4x4096xf32, #tpu.memory_space<hbm>> -> memref<4x4096xf32, #tpu.memory_space<hbm>>
    %dma_wait3A_182 = arith.constant 0 : i32
    %dma_wait3A_183 = arith.constant 0 : i32
    %dma_wait3A_184 = tpu.memref_slice %arg4[%arg1, %dma_wait3A_182, %dma_wait3A_183] : memref<16x4x4096xf32, #tpu.memory_space<vmem_shared>> -> memref<1x4x4096xf32, #tpu.memory_space<vmem_shared>>
    %dma_wait3A_185 = tpu.memref_squeeze %dma_wait3A_184 : memref<1x4x4096xf32, #tpu.memory_space<vmem_shared>> -> memref<4x4096xf32, #tpu.memory_space<vmem_shared>>
    tpu.wait_dma2 semaphore(%arg12 : memref<!tpu.dma_semaphore, #tpu.memory_space<semaphore_mem>>) src(%dma_wait3A_185 : memref<4x4096xf32, #tpu.memory_space<vmem_shared>>) dst(%dma_wait3A_181 : memref<4x4096xf32, #tpu.memory_space<hbm>>)
    %add3A_186 = arith.constant 0 : i32
    %add3A_187 = arith.addi %mul3A_2, %add3A_186 : i32
    %dma_wait3A_188 = arith.constant 4 : i32
    %dma_wait3A_189 = arith.constant 0 : i32
    %dma_wait3A_190 = tpu.memref_slice %arg3[%add3A_187, %dma_wait3A_188, %dma_wait3A_189] : memref<256x64x4096xf32, #tpu.memory_space<hbm>> -> memref<1x4x4096xf32, #tpu.memory_space<hbm>>
    %dma_wait3A_191 = tpu.memref_squeeze %dma_wait3A_190 : memref<1x4x4096xf32, #tpu.memory_space<hbm>> -> memref<4x4096xf32, #tpu.memory_space<hbm>>
    %dma_wait3A_192 = arith.constant 4 : i32
    %dma_wait3A_193 = arith.constant 0 : i32
    %dma_wait3A_194 = tpu.memref_slice %arg3[%add3A_187, %dma_wait3A_192, %dma_wait3A_193] : memref<256x64x4096xf32, #tpu.memory_space<hbm>> -> memref<1x4x4096xf32, #tpu.memory_space<hbm>>
    %dma_wait3A_195 = tpu.memref_squeeze %dma_wait3A_194 : memref<1x4x4096xf32, #tpu.memory_space<hbm>> -> memref<4x4096xf32, #tpu.memory_space<hbm>>
    tpu.wait_dma2 semaphore(%arg13 : memref<!tpu.dma_semaphore, #tpu.memory_space<semaphore_mem>>) src(%arg5 : memref<4x4096xf32, #tpu.memory_space<vmem>>) dst(%dma_wait3A_195 : memref<4x4096xf32, #tpu.memory_space<hbm>>)
    %add3A_196 = arith.constant 0 : i32
    %add3A_197 = arith.addi %mul3A_2, %add3A_196 : i32
    %dma_wait3A_198 = arith.constant 8 : i32
    %dma_wait3A_199 = arith.constant 0 : i32
    %dma_wait3A_200 = tpu.memref_slice %arg3[%add3A_197, %dma_wait3A_198, %dma_wait3A_199] : memref<256x64x4096xf32, #tpu.memory_space<hbm>> -> memref<1x4x4096xf32, #tpu.memory_space<hbm>>
    %dma_wait3A_201 = tpu.memref_squeeze %dma_wait3A_200 : memref<1x4x4096xf32, #tpu.memory_space<hbm>> -> memref<4x4096xf32, #tpu.memory_space<hbm>>
    %dma_wait3A_202 = arith.constant 0 : i32
    %dma_wait3A_203 = arith.constant 0 : i32
    %dma_wait3A_204 = tpu.memref_slice %arg6[%arg1, %dma_wait3A_202, %dma_wait3A_203] : memref<16x4x4096xf32, #tpu.memory_space<vmem_shared>> -> memref<1x4x4096xf32, #tpu.memory_space<vmem_shared>>
    %dma_wait3A_205 = tpu.memref_squeeze %dma_wait3A_204 : memref<1x4x4096xf32, #tpu.memory_space<vmem_shared>> -> memref<4x4096xf32, #tpu.memory_space<vmem_shared>>
    tpu.wait_dma2 semaphore(%arg14 : memref<!tpu.dma_semaphore, #tpu.memory_space<semaphore_mem>>) src(%dma_wait3A_205 : memref<4x4096xf32, #tpu.memory_space<vmem_shared>>) dst(%dma_wait3A_201 : memref<4x4096xf32, #tpu.memory_space<hbm>>)
    %add3A_206 = arith.constant 0 : i32
    %add3A_207 = arith.addi %mul3A_2, %add3A_206 : i32
    %dma_wait3A_208 = arith.constant 12 : i32
    %dma_wait3A_209 = arith.constant 0 : i32
    %dma_wait3A_210 = tpu.memref_slice %arg3[%add3A_207, %dma_wait3A_208, %dma_wait3A_209] : memref<256x64x4096xf32, #tpu.memory_space<hbm>> -> memref<1x4x4096xf32, #tpu.memory_space<hbm>>
    %dma_wait3A_211 = tpu.memref_squeeze %dma_wait3A_210 : memref<1x4x4096xf32, #tpu.memory_space<hbm>> -> memref<4x4096xf32, #tpu.memory_space<hbm>>
    %dma_wait3A_212 = arith.constant 12 : i32
    %dma_wait3A_213 = arith.constant 0 : i32
    %dma_wait3A_214 = tpu.memref_slice %arg3[%add3A_207, %dma_wait3A_212, %dma_wait3A_213] : memref<256x64x4096xf32, #tpu.memory_space<hbm>> -> memref<1x4x4096xf32, #tpu.memory_space<hbm>>
    %dma_wait3A_215 = tpu.memref_squeeze %dma_wait3A_214 : memref<1x4x4096xf32, #tpu.memory_space<hbm>> -> memref<4x4096xf32, #tpu.memory_space<hbm>>
    tpu.wait_dma2 semaphore(%arg15 : memref<!tpu.dma_semaphore, #tpu.memory_space<semaphore_mem>>) src(%arg7 : memref<4x4096xf32, #tpu.memory_space<vmem>>) dst(%dma_wait3A_215 : memref<4x4096xf32, #tpu.memory_space<hbm>>)
    return
  }
}

</mosaic_0001>

<sc_bundles>
// kernel: kernel.3.cloned.1.call-start
scs
__scs_entry_jumppad:
0x0: {  	(pc) =	sbr.rel $0x88, $3  }
0x1: {  	(tag) =	ssettag $0x0;
	lr =	simm.s32 $0x1  }
0x2: {  	[smem:$0x3FA0] =	sst lr;
	_ =	strace $0xD0000000  }
0x3: {  	_ = 	snop  }
0x4: {  	_ = 	snop  }
0x5: {  	_ = 	snop  }
0x6: {  	_ = 	snop  }
0x7: {  	_ = 	snop  }
__scs_overlays_trampoline_lowered:
0x8: {  	[smem:$0x3FAF] =	sst s0  }
0x9: {  	[smem:$0x3FB0] =	sst s1  }
0xa: {  	[smem:$0x3FB1] =	sst s2  }
0xb: {  	[smem:$0x3FB2] =	sst s3  }
0xc: {  	[smem:$0x3FB3] =	sst s4  }
0xd: {  	[smem:$0x3FB4] =	sst s5  }
0xe: {  	[smem:$0x3FB5] =	sst s6  }
0xf: {  	[smem:$0x3FB6] =	sst s7  }
0x10: {  	[smem:$0x3FB7] =	sst s8  }
0x11: {  	[smem:$0x3FB8] =	sst s9;
	s0 =	simm.s32 @!p0 $0x0  }
0x12: {  	s1 =	sld [smem:$0x3F9E];
	s0 =	simm.s32 @p0 $0x1  }
0x13: {  	[smem:$0x3FB9] =	sst s0;
	s0 =	simm.s32 @!p1 $0x0  }
0x14: {  	s2 =	sld [smem:$0x3F9D];
	s0 =	simm.s32 @p1 $0x1  }
0x15: {  	[smem:$0x3FBA] =	sst s0;
	s0 =	simm.s32 @!p2 $0x0  }
0x16: {  	s3 =	sld [smem:$0x3FDB];
	s0 =	simm.s32 @p2 $0x1  }
0x17: {  	s4 =	simm.s32 $0x1BF5;
	[smem:$0x3FBC] =	sst s0  }
0x18: {  	s0 =	sld [smem:$0x3F9F];
	_ =	swait.ge [sflag:s4], $0x0  }
0x19: {  	s7 =	sld [smem:$0x3FA0]  }
0x1a: {  	s8 =	sadd.s32 $0xFFFFE003, lr  }
0x1b: {  	s9 =	sadd.s32 $0xFFFFFEF7, lr;
	s5 =	simm.s32 $0xFFFFFFFF;
	p2 =	slt.u32 s8, $0xFFFFF086  }
0x1c: {  	p1 =	slt.u32 s9, $0xF7A;
	s5 =	simm.s32 @!p2 $0x0  }
0x1d: {  	s5 =	simm.s32 @p1 $0x1;
	p0 =	seq.s32 s7, s2  }
0x1e: {  	s7 =	smul.u32 @!p0 $0xF7A, s2;
	p2 =	seq.s32 @!p0 s5, $0x0  }
0x1f: {  	s9 =	smul.u32 $0xF7A, s1;
	s8 =	simm.s32 @!p0 $0x1BF5;
	p2 =	por !p2, p0  }
0x20: {  	[sflag:s8] =	ssyncset.s32 @!p0 $0xFFFFF086;
	s6 =	sadd.s32 @!p0 s3, s7;
	s7 =	simm.s32 @!p0 $0x108  }
0x21: {  	s3 =	sadd.s32 s3, s9;
	s6 =	sadd.s32 @!p0 $0x88, s6;
	s7 =	simm.s32 @p2 $0x1082  }
0x22: {  	[simem:s7], [sflag:s8] =	dma.local @!p0 [hbm:s6], $0xF7A  }
0x23: {  	s9 =	sor.u32 $0xD0000000, s2;
	s6 =	simm.s32 $0x108;
	_ =	swait.ge @!p0 [sflag:s8], $0x0  }
0x24: {  	s3 =	sadd.s32 $0x88, s3;
	s6 =	simm.s32 @!p1 $0x1082;
	[sflag:s4] =	ssyncset.s32 $0xFFFFF086  }
0x25: {  	[simem:s6], [sflag:s4] =	dma.local [hbm:s3], $0xF7A  }
0x26: {  	[smem:$0x3FA0] =	sst s1;
	(tag) =	ssettag s2;
	_ =	strace s9  }
0x27: {  	s1 =	sld [smem:$0x3FB0]  }
0x28: {  	s2 =	sld [smem:$0x3FB1]  }
0x29: {  	s4 =	sld [smem:$0x3FB3]  }
0x2a: {  	p0 =	seq.s32 s5, $0x0;
	s5 =	sld [smem:$0x3FB4]  }
0x2b: {  	s6 =	sld [smem:$0x3FB5]  }
0x2c: {  	s7 =	sld [smem:$0x3FB6]  }
0x2d: {  	s3 =	simm.s32 $0x108;
	s8 =	sld [smem:$0x3FB7]  }
0x2e: {  	s3 =	simm.s32 @!p0 $0x1082;
	s9 =	sld [smem:$0x3FB8]  }
0x2f: {  	lr =	sadd.s32 s0, s3;
	s0 =	sld [smem:$0x3FAF]  }
0x30: {  	s3 =	sld [smem:$0x3FB2]  }
0x31: {  	[smem:$0x3FBB] =	sst s10  }
0x32: {  	s10 =	sld [smem:$0x3FB9];
	_ =	sdelay $0x3  }
0x33: {  	p0 =	seq.s32 s10, $0x1;
	s10 =	sld [smem:$0x3FBB];
	_ =	sdelay $0x3  }
0x34: {  	[smem:$0x3FBB] =	sst s10  }
0x35: {  	s10 =	sld [smem:$0x3FBA];
	_ =	sdelay $0x3  }
0x36: {  	p1 =	seq.s32 s10, $0x1;
	s10 =	sld [smem:$0x3FBB];
	_ =	sdelay $0x3  }
0x37: {  	[smem:$0x3FBB] =	sst s10  }
0x38: {  	s10 =	sld [smem:$0x3FBC]  }
0x39: {  	_ = 	snop;
	(pc) =	sbr.ind lr, $3  }
0x3a: {  	_ = 	snop  }
0x3b: {  	_ = 	snop  }
0x3c: {  	p2 =	seq.s32 s10, $0x1;
	s10 =	sld [smem:$0x3FBB]  }
0x3d: {  	_ =	shalt  }
0x3e: {  	_ =	shalt  }
0x3f: {  	_ =	shalt  }
0x40: {  	_ =	shalt  }
0x41: {  	_ =	shalt  }
0x42: {  	_ =	shalt  }
0x43: {  	_ =	shalt  }
0x44: {  	_ =	shalt  }
0x45: {  	_ =	shalt  }
0x46: {  	_ =	shalt  }
0x47: {  	_ =	shalt  }
0x48: {  	_ =	shalt  }
0x49: {  	_ =	shalt  }
0x4a: {  	_ =	shalt  }
0x4b: {  	_ =	shalt  }
0x4c: {  	_ =	shalt  }
0x4d: {  	_ =	shalt  }
0x4e: {  	_ =	shalt  }
0x4f: {  	_ =	shalt  }
0x50: {  	_ =	shalt  }
0x51: {  	_ =	shalt  }
0x52: {  	_ =	shalt  }
0x53: {  	_ =	shalt  }
0x54: {  	_ =	shalt  }
0x55: {  	_ =	shalt  }
0x56: {  	_ =	shalt  }
0x57: {  	_ =	shalt  }
0x58: {  	_ =	shalt  }
0x59: {  	_ =	shalt  }
0x5a: {  	_ =	shalt  }
0x5b: {  	_ =	shalt  }
0x5c: {  	_ =	shalt  }
0x5d: {  	_ =	shalt  }
0x5e: {  	_ =	shalt  }
0x5f: {  	_ =	shalt  }
0x60: {  	_ =	shalt  }
0x61: {  	_ =	shalt  }
0x62: {  	_ =	shalt  }
0x63: {  	_ =	shalt  }
0x64: {  	_ =	shalt  }
0x65: {  	_ =	shalt  }
0x66: {  	_ =	shalt  }
0x67: {  	_ =	shalt  }
0x68: {  	_ =	shalt  }
0x69: {  	_ =	shalt  }
0x6a: {  	_ =	shalt  }
0x6b: {  	_ =	shalt  }
0x6c: {  	_ =	shalt  }
0x6d: {  	_ =	shalt  }
0x6e: {  	_ =	shalt  }
0x6f: {  	_ =	shalt  }
0x70: {  	_ =	shalt  }
0x71: {  	_ =	shalt  }
0x72: {  	_ =	shalt  }
0x73: {  	_ =	shalt  }
0x74: {  	_ =	shalt  }
0x75: {  	_ =	shalt  }
0x76: {  	_ =	shalt  }
0x77: {  	_ =	shalt  }
0x78: {  	_ =	shalt  }
0x79: {  	_ =	shalt  }
0x7a: {  	_ =	shalt  }
0x7b: {  	_ =	shalt  }
0x7c: {  	_ =	shalt  }
0x7d: {  	_ =	shalt  }
0x7e: {  	_ =	shalt  }
0x7f: {  	_ =	shalt  }
0x80: {  	_ =	shalt  }
0x81: {  	_ =	shalt  }
0x82: {  	_ =	shalt  }
0x83: {  	_ =	shalt  }
0x84: {  	_ =	shalt  }
0x85: {  	_ =	shalt  }
0x86: {  	_ =	shalt  }
0x87: {  	_ =	shalt  }
.Lfunc_end0:
.L_simem_size_0:
called_computation_lowered:
.L_overlay_start_0:
0x88: {  	s2 =	sld [smem:$0x3FD9]  }
0x89: {  	s3 =	sld [smem:$0x3FFE];
	_ =	sdelay $0x1  }
0x8a: {  	s1 =	srdreg.scid  }
0x8b: {  	s0 =	sand.u32 $0x1, s1  }
0x8c: {  	s18 =	sshll.u32 s0, $0xA;
	s2 =	sadd.s32 s3, s2  }
0x8d: {  	s2 =	sadd.s32 s2, s18  }
0x8e: {  	[smem:$0x3FC7] =	sst s2  }
0x8f: {  	_ = 	snop  }
0x90: {  	s2 =	sld [smem:$0x3FC9]  }
0x91: {  	s19 =	sld [smem:$0x3FD0];
	(tm) =	ssettm $0x1  }
0x92: {  	s4 =	sld [smem:$0x3FFB];
	_ =	sdelay $0x3  }
0x93: {  	_ =	strace s4  }
0x94: {  	s4 =	sld [smem:$0x3FFC];
	_ =	sdelay $0x3  }
0x95: {  	_ =	strace s4  }
0x96: {  	s4 =	sld [smem:$0x3FFD];
	_ =	sdelay $0x3  }
0x97: {  	_ =	strace s4  }
0x98: {  	_ =	strace $0x8FFFFFFF  }
0x99: {  	s20 =	sld [smem:$0x3FDB];
	_ =	sdelay $0x1  }
0x9a: {  	s5 =	simm.s32 $_scs_section_size  }
0x9b: {  	s6 =	simm.s32 $_size__tile_overlayer_lowered;
	s7 =	simm.s32 $_tile_overlayer_lowered  }
0x9c: {  	s23 =	simm.s32 $0x1BFF;
	s22 =	sshll.u32 s7, $0x1;
	s4 =	sadd.s32 s5, s20  }
0x9d: {  	s8 =	simm.s32 $0x0;
	s21 =	sshll.u32 s6, $0x1;
	s6 =	sadd.s32 s22, s4  }
0x9e: {  	[timem:s8], [sflag:s23] =	dma.local [hbm:s6], s21  }
0x9f: {  	_ =	swait.ge [sflag:s23], s21  }
0xa0: {  	s5 =	ssub.s32 $0x0, s21;
	[sflag:s23] =	ssyncset.done $0x0  }
0xa1: {  	[sflag:s23] =	ssyncadd.s32 s5;
	_ =	sdelay $0x1  }
0xa2: {  	s24 =	simm.s32 $0x1B8B  }
0xa3: {  	_ =	swait.ge [sflag:s24], $0x1  }
0xa4: {  	[sflag:s24] =	ssyncset.done $0x0  }
0xa5: {  	s25 =	simm.s32 $0x1B8E;
	[sflag:s24] =	ssyncadd.s32 $0xFFFFFFFF  }
0xa6: {  	s26 =	simm.s32 $execute0_lowered;
	[smem:$0x3FD2] =	sst s25  }
0xa7: {  	s5 =	sshll.u32 s26, $0x1;
	_ =	strace $0x80000046;
	[dreg:$0x1] =	wrdreg $0xFFFFFFFF  }
0xa8: {  	s28 =	simm.s32 $_size_execute0_lowered;
	s4 =	sadd.s32 s4, s5;
	[dreg:$0x0] =	wrdreg $0x0  }
0xa9: {  	s5 =	sshll.u32 s28, $0x1;
	[dreg:$0x2] =	wrdreg s4  }
0xaa: {  	[dreg:$0x3] =	wrdreg s5  }
0xab: {  	[dreg:$0x4] =	wrdreg $0xC0  }
0xac: {  	_ =	task [dreg:s8], $0x5FFFF  }
0xad: {  	[dreg:$0x1] =	wrdreg $0xFFFFFFFF  }
0xae: {  	[dreg:$0x0] =	wrdreg $0x60  }
0xaf: {  	[dreg:$0x2] =	wrdreg s2  }
0xb0: {  	[dreg:$0x3] =	wrdreg s19  }
0xb1: {  	[dreg:$0x4] =	wrdreg $0x0  }
0xb2: {  	[dreg:$0x5] =	wrdreg $0x80000  }
0xb3: {  	[dreg:$0x6] =	wrdreg $0x9  }
0xb4: {  	_ =	task.clear_ibuf [dreg:s8], $0x7FFFF;
	_ =	strace $0x90000046  }
0xb5: {  	s29 =	simm.s32 $0x9;
	_ =	strace $0x80000048  }
0xb6: {  	_ =	swait.ge [sflag:s29], $0x1  }
0xb7: {  	[sflag:s29] =	ssyncadd.s32 $0xFFFFFFFF  }
0xb8: {  	_ =	strace $0x90000048  }
0xb9: {  	_ =	sfence  }
0xba: {  	s30 =	sld [smem:$0x0];
	_ =	sdelay $0x2  }
0xbb: {  	s31 =	sshll.u32 s1, $0xD;
	s1 =	sshrl.u32 s1, $0x2  }
0xbc: {  	s3 =	sand.u32 $0x4000, s31;
	s1 =	sadd.s32 s1, s30  }
0xbd: {  	s0 =	sor.u32 s3, s0;
	s1 =	sshll.u32 s1, $0x11  }
0xbe: {  	s0 =	sor.u32 s1, s0  }
0xbf: {  	s0 =	sadd.s32 $0x8F2B, s0  }
0xc0: {  	[sflag:s0] =	ssyncadd.remote.s32 $0x1  }
0xc1: {  	_ =	sfence.sel $0xFFFF  }
0xc2: {  	[dreg:$0x0] =	wrdreg $0xFFFFFFFF;
	(pc) =	sbr.abs _section_cstart, $3  }
0xc3: {  	[dreg:$0x1] =	wrdreg $0xFFFFFFFF  }
0xc4: {  	_ =	task.clear_ibuf [dreg:s8], $0x2FFFF;
	_ =	strace $0x9FFFFFFF  }
0xc5: {  	(tm) =	ssettm $0x7FFFFFFF  }
tec
execute0_lowered:
.L_overlay_start_1:
0x0: {  	(tag) =	ssettag $0x1  }
0x1: {  	s1 =	rddreg [dreg:$0x0]  }
0x2: {  	s2 =	rddreg [dreg:$0x1]  }
0x3: {  	s0 =	rddreg [dreg:$0x2]  }
0x4: {  	s3 =	rddreg [dreg:$0x3]  }
0x5: {  	s9 =	simm.s32 $0x0;
	s5 =	srdreg.scid;
	s4 =	stileid.u32  }
0x6: {  	s15 =	simm.s32 $0x4;
	s16 =	simm.s32 $0x40;
	s17 =	simm.s32 $0x80  }
0x7: {  	s18 =	simm.s32 $0x200;
	s19 =	simm.s32 $0x400;
	s20 =	simm.s32 $0x4000  }
0x8: {  	s21 =	simm.s32 $0x1;
	s28 =	simm.s32 $0x3;
	s29 =	simm.s32 $0x5  }
0x9: {  	s30 =	simm.s32 $0x6;
	[smem:$0x7FF] =	sst s9;
	s5 =	sand.u32 $0x1, s5  }
0xa: {  	s7 =	sshll.u32 s4, $0x4;
	s10 =	sshll.u32 s4, $0xE;
	s4 =	sshll.u32 s4, $0x6  }
0xb: {  	s12 =	sadd.s32 $0x40, s2;
	_ =	strace $0x80000047;
	s6 =	ssub.s32 $0x2, s5  }
0xc: {  	s5 =	sshll.u32 s5, $0x3;
	s0 =	sadd.s32 s10, s0;
	s23 =	sor.u32 $0x1C01, s4  }
0xd: {  	s3 =	sadd.s32 s10, s3;
	s31 =	sor.u32 $0x1C05, s4;
	s8 =	sshrl.u32 s6, $0x1  }
0xe: {  	s5 =	sor.u32 s5, s7;
	[dreg:$0x7] =	wrdreg s23;
	s14 =	sshrl.u32 s0, $0x3  }
0xf: {  	[dreg:$0xb] =	wrdreg s31;
	s23 =	sor.u32 $0x1C03, s4;
	s6 =	ssub.s32 s6, s8  }
.Ltmp0:
0x10: {  	s11 =	sshll.u32 s5, $0xF;
	s25 =	sshrl.u32 s5, $0x3;
	(pc) =	sbr.rel .LBB2_1-.Ltmp0, $4  }
0x11: {  	s8 =	sadd.s32 $0x40, s1;
	s22 =	sadd.s32 s1, s11;
	[dreg:$0x9] =	wrdreg s25  }
0x12: {  	s24 =	sadd.s32 s11, s8;
	s26 =	smax.u32 s6, $0x1;
	[dreg:$0x6] =	wrdreg s22  }
0x13: {  	s11 =	smov.u32 s4;
	s25 =	simm.s32 $0x2;
	[dreg:$0x8] =	wrdreg s24  }
0x14: {  	[dreg:$0xa] =	wrdreg s26;
	s24 =	sshrl.u32 s3, $0x3;
	s26 =	simm.s32 $0xC000  }
.LBB2_4:
0x15: {  	_ =	swait.ge [sflag:s15], $0x4000  }
0x16: {  	s0 =	sadd.s32 s13, s12;
	[sflag:s15] =	ssyncset.done $0x0  }
0x17: {  	s0 =	sadd.s32 $0x7000, s0;
	[sflag:s15] =	ssyncadd.s32 $0xFFFFC000  }
0x18: {  	[hbm4b:s0+s18] =	stream.strided.scatter [tilespmem:s26], [sflag:$0x8], $0x4000, s19, s18, $0x38;
	[tilespmem:$0x10000] =	vst v63  }
0x19: {  	_ =	swait.ge [sflag:s29], $0x800  }
0x1a: {  	[sflag:s29] =	ssyncset.done $0x0  }
0x1b: {  	[sflag:s29] =	ssyncadd.s32 $0xFFFFF800  }
0x1c: {  	_ =	swait.ge [sflag:s30], $0x4000  }
0x1d: {  	[sflag:s30] =	ssyncset.done $0x0  }
0x1e: {  	s22 =	simm.s32 $0x7;
	[sflag:s30] =	ssyncadd.s32 $0xFFFFC000  }
0x1f: {  	_ =	swait.ge [sflag:s22], $0x800  }
0x20: {  	[sflag:s22] =	ssyncset.done $0x0  }
0x21: {  	s1 =	simm.s32 $0x8;
	[sflag:s22] =	ssyncadd.s32 $0xFFFFF800  }
0x22: {  	_ =	swait.ge [sflag:s1], $0x4000  }
0x23: {  	s9 =	rddreg [dreg:$0x5]  }
0x24: {  	s31 =	rddreg [dreg:$0xa];
	s9 =	sadd.s32 $0x1, s9  }
0x25: {  	p0 =	sne.s32 s9, s31  }
.Ltmp1:
0x26: {  	_ = 	snop;
	(pc) =	sbr.rel @!p0 .LBB2_5-.Ltmp1, $3  }
0x27: {  	_ =	sdelay $0x1  }
0x28: {  	[sflag:s1] =	ssyncset.done $0x0  }
0x29: {  	[sflag:s1] =	ssyncadd.s32 $0xFFFFC000  }
.LBB2_1:
0x2a: {  	[dreg:$0x5] =	wrdreg s9  }
0x2b: {  	s0 =	rddreg [dreg:$0x6]  }
0x2c: {  	s1 =	rddreg [dreg:$0x7]  }
0x2d: {  	[spmem:s14@s16], [sflag:s1] =	dma.strided [hbm:s0@s17], $0x800, s15, $0x10   }
0x2e: {  	s3 =	simm.s32 $0x2800;
	s6 =	simm.s32 $0x5;
	s0 =	rddreg [dreg:$0x8]  }
0x2f: {  	s10 =	simm.s32 $0x0;
	s22 =	simm.s32 $0x4000;
	s7 =	rddreg [dreg:$0x0]  }
0x30: {  	[tilespmem:s20], [sflag:$0x2] =	stream.strided.gather [hbm4b:s0+s18], $0x4000, s19, s18, $0x38;
	[tilespmem:$0x10000] =	vst v63  }
.LBB2_2:
0x31: {  	s31 =	sshrl.u32 s10, $0x2;
	s4 =	sadd.s32 $0xFFFFD800, s3  }
0x32: {  	_ =	swait.ge [sflag:s21], $0x800;
	s0 =	sor.u32 s5, s31;
	s4 =	sand.u32 $0x6000, s4  }
0x33: {  	[sflag:s21] =	ssyncset.done $0x0;
	s20 =	rddreg [dreg:$0xb];
	p1 =	sne.s32 s31, $0x0  }
0x34: {  	s13 =	sshll.u32 s0, $0xF;
	[sflag:s21] =	ssyncadd.s32 $0xFFFFF800;
	p0 =	seq.s32 s0, $0x0  }
0x35: {  	s1 =	sor.u32 s4, s13;
	s9 =	rddreg [dreg:$0x1];
	p0 =	por !p1, !p0  }
0x36: {  	s0 =	simm.s32 $0x1;
	s2 =	sadd.s32 s9, s1;
	p0 =	por !p0, !p0  }
0x37: {  	[hbm:s2@s17], [sflag:s20] =	dma.strided [spmem:s14@s16], $0x800, s15, $0x10   }
0x38: {  	s0 =	simm.s32 @!p0 $0x0;
	s2 =	sshll.u32 s31, $0x4;
	s20 =	rddreg [dreg:$0x9]  }
0x39: {  	s2 =	sor.u32 $0x8, s2;
	s0 =	ssub.s32 s20, s0  }
0x3a: {  	s0 =	smul.u32 s0, s2  }
0x3b: {  	p0 =	seq.s32 s3, $0x2800  }
0x3c: {  	s2 =	simm.s32 @!p0 $0x7;
	s0 =	sand.u32 $0xF8, s0  }
0x3d: {  	_ =	swait.ge @!p0 [sflag:s2], $0x800;
	s0 =	sor.u32 s31, s0;
	s31 =	sor.u32 $0x1000, s4  }
0x3e: {  	[sflag:s2] =	ssyncset.done @!p0 $0x0;
	s0 =	sshll.u32 s0, $0xF;
	s4 =	sadd.s32 s7, s31  }
0x3f: {  	[sflag:s2] =	ssyncadd.s32 @!p0 $0xFFFFF800;
	s4 =	sadd.s32 s0, s4  }
0x40: {  	[spmem:s24@s16], [sflag:s23] =	dma.strided [hbm:s4@s17], $0x800, s15, $0x10   }
0x41: {  	_ =	swait.ge [sflag:s25], $0x4000  }
0x42: {  	[sflag:s25] =	ssyncset.done $0x0  }
0x43: {  	s1 =	sadd.s32 s1, s12;
	[sflag:s25] =	ssyncadd.s32 $0xFFFFC000  }
0x44: {  	[hbm4b:s1+s18] =	stream.strided.scatter [tilespmem:s22], [sflag:$0x6], $0x4000, s19, s18, $0x38;
	[tilespmem:$0x10000] =	vst v63  }
0x45: {  	s1 =	simm.s32 @!p0 $0x8  }
0x46: {  	_ =	swait.ge @!p0 [sflag:s1], $0x4000  }
0x47: {  	s0 =	sor.u32 s0, s31;
	[sflag:s1] =	ssyncset.done @!p0 $0x0  }
0x48: {  	s0 =	sadd.s32 s0, s8;
	[sflag:s1] =	ssyncadd.s32 @!p0 $0xFFFFC000;
	p0 =	seq.s32 s3, $0x40800  }
0x49: {  	[tilespmem:s26], [sflag:$0x4] =	stream.strided.gather [hbm4b:s0+s18], $0x4000, s19, s18, $0x38;
	[tilespmem:$0x10000] =	vst v63  }
.Ltmp2:
0x4a: {  	_ = 	snop;
	(pc) =	sbr.rel @p0 .LBB2_4-.Ltmp2, $4  }
0x4b: {  	_ =	swait.ge [sflag:s28], $0x800  }
0x4c: {  	s20 =	sadd.s32 s9, s31;
	s22 =	sor.u32 $0x1C07, s11;
	[sflag:s28] =	ssyncset.done $0x0  }
0x4d: {  	s0 =	sadd.s32 s13, s20;
	s20 =	simm.s32 $0x4000;
	[sflag:s28] =	ssyncadd.s32 $0xFFFFF800  }
0x4e: {  	[hbm:s0@s17], [sflag:s22] =	dma.strided [spmem:s24@s16], $0x800, s15, $0x10   }
0x4f: {  	s0 =	sadd.s32 $0xFFFFFFFF, s6  }
0x50: {  	s0 =	sshrl.u32 s0, $0x4  }
0x51: {  	s1 =	sadd.s32 s5, s0;
	s0 =	sand.u32 $0x7, s0  }
0x52: {  	p0 =	seq.s32 s1, $0x0;
	p1 =	sne.s32 s0, $0x0  }
0x53: {  	p0 =	por !p0, !p1  }
0x54: {  	s2 =	simm.s32 $0x1;
	p0 =	por !p0, !p0  }
0x55: {  	s1 =	sshrl.u32 s1, $0x3;
	s4 =	sshll.u32 s0, $0x4;
	s2 =	simm.s32 @!p0 $0x0  }
0x56: {  	s9 =	sor.u32 $0x8, s4;
	s1 =	ssub.s32 s1, s2  }
0x57: {  	s1 =	smul.u32 s1, s9;
	_ =	sdelay $0x1  }
0x58: {  	s22 =	sadd.s32 $0xFFFFF800, s3;
	_ =	swait.ge [sflag:s29], $0x800;
	s1 =	sand.u32 $0xF8, s1  }
0x59: {  	[sflag:s29] =	ssyncset.done $0x0;
	s2 =	sand.u32 $0x6000, s22;
	s0 =	sor.u32 s0, s1  }
0x5a: {  	[sflag:s29] =	ssyncadd.s32 $0xFFFFF800;
	s1 =	sadd.s32 s7, s2;
	s0 =	sshll.u32 s0, $0xF  }
0x5b: {  	s4 =	rddreg [dreg:$0x7];
	s9 =	sshrl.u32 s6, $0x4;
	s0 =	sadd.s32 s0, s1  }
0x5c: {  	[spmem:s14@s16], [sflag:s4] =	dma.strided [hbm:s0@s17], $0x800, s15, $0x10   }
0x5d: {  	s22 =	sadd.s32 s5, s9;
	s0 =	sand.u32 $0x7, s9  }
0x5e: {  	s31 =	sor.u32 s31, s13;
	p5 =	seq.s32 s22, $0x0;
	p6 =	sne.s32 s0, $0x0  }
0x5f: {  	s10 =	sadd.s32 $0x1, s10;
	s6 =	sadd.s32 $0x4, s6;
	p0 =	por !p5, !p6  }
0x60: {  	s1 =	sshrl.u32 s22, $0x3;
	s4 =	simm.s32 $0x1;
	p0 =	por !p0, !p0  }
0x61: {  	_ =	swait.ge [sflag:s15], $0x4000;
	s9 =	sshll.u32 s0, $0x4;
	s4 =	simm.s32 @!p0 $0x0  }
0x62: {  	[sflag:s15] =	ssyncset.done $0x0;
	s22 =	sor.u32 $0x8, s9;
	s1 =	ssub.s32 s1, s4  }
0x63: {  	s2 =	sadd.s32 s31, s12;
	[sflag:s15] =	ssyncadd.s32 $0xFFFFC000;
	s1 =	smul.u32 s1, s22  }
0x64: {  	[hbm4b:s2+s18] =	stream.strided.scatter [tilespmem:s26], [sflag:$0x8], $0x4000, s19, s18, $0x38;
	[tilespmem:$0x10000] =	vst v63  }
.Ltmp3:
0x65: {  	s31 =	sand.u32 $0x6000, s3;
	s1 =	sand.u32 $0xF8, s1;
	(pc) =	sbr.rel .LBB2_2-.Ltmp3, $4  }
0x66: {  	s3 =	sadd.s32 $0x2000, s3;
	_ =	swait.ge [sflag:s30], $0x4000;
	s0 =	sor.u32 s0, s1  }
0x67: {  	[sflag:s30] =	ssyncset.done $0x0;
	s1 =	sadd.s32 s31, s8;
	s0 =	sshll.u32 s0, $0xF  }
0x68: {  	s22 =	simm.s32 $0x4000;
	[sflag:s30] =	ssyncadd.s32 $0xFFFFC000;
	s0 =	sadd.s32 s0, s1  }
0x69: {  	[tilespmem:s20], [sflag:$0x2] =	stream.strided.gather [hbm4b:s0+s18], $0x4000, s19, s18, $0x38;
	[tilespmem:$0x10000] =	vst v63  }
.LBB2_5:
0x6a: {  	_ =	sfence.sel $0x180000  }
0x6b: {  	[bflag:$0x0] =	sbarrier.arrive $0xFFFF  }
0x6c: {  	_ =	strace $0x90000047  }
0x6d: {  	s0 =	stileid.u32;
	[bflag:$0x2] =	sbarrier.arrive $0xFFFF  }
0x6e: {  	p0 =	sne.s32 s0, $0x0;
	s0 =	rddreg [dreg:$0x4]  }
0x6f: {  	s0 =	sadd.s32 @!p0 $0x100000, s0  }
0x70: {  	[sflag:s0] =	ssyncadd.tile.s32 @!p0 $0x1;
	_ =	shalt  }
.Lfunc_end2:
_tile_overlayer_lowered:
.L_overlay_start_2:
0x71: {  	(tag) =	ssettag $0x2  }
0x72: {  	s0 =	rddreg [dreg:$0x0];
	s2 =	stileid.u32  }
0x73: {  	s1 =	rddreg [dreg:$0x1];
	p0 =	sne.s32 s2, $0x0  }
0x74: {  	s3 =	rddreg [dreg:$0x2];
	[bflag:$0x3] =	sbarrier.arrive $0xFFFF;
	s2 =	simm.s32 @!p0 $0x1C09  }
0x75: {  	[timem:s3], [sflag:s2] =	dma.local @!p0 [hbm:s0], s1  }
0x76: {  	s0 =	simm.s32 @!p0 $0x9  }
0x77: {  	_ =	swait.ge @!p0 [sflag:s0], s1  }
0x78: {  	s1 =	ssub.s32 @!p0 $0x0, s1;
	[sflag:s0] =	ssyncset.done @!p0 $0x0  }
0x79: {  	[sflag:s0] =	ssyncadd.s32 @!p0 s1  }
0x7a: {  	[bflag:$0x3] =	sbarrier.arrive $0xFFFF  }
0x7b: {  	_ =	shalt  }

</sc_bundles>
